<compile_context>
chip_gen: v7x
topology: tpu7x:2x2x1
jax: 0.10.2.dev20260603
libtpu: 0.0.44.dev20260713+nightly
codegen_flags: <defaults>
</compile_context>

<pallas_src>
import functools
import jax
import jax.numpy as jnp
from jax import lax
from jax.experimental import pallas as pl
from jax.experimental.pallas import tpu as pltpu
from jax.experimental.pallas import tpu_sc as plsc

E = 8
NGROUP = 4
GSZ = E // NGROUP
SCALE = 2.5
H = 1024
I = 512
SI = 1024
T = 2048
KTOP = 2

BLK = 256
P_ROWS = T * KTOP + E * BLK
NBLK = P_ROWS // BLK
NW = 32
TOK_PER_W = T // (NW // KTOP)
CHUNK = 32


def _silu(v):
    return v / (1.0 + jnp.exp(-v))


def _top1_mask(vals, width):
    m = jnp.max(vals, axis=1, keepdims=True)
    io = lax.broadcasted_iota(jnp.int32, vals.shape, 1)
    idx = jnp.min(jnp.where(vals == m, io, width), axis=1, keepdims=True)
    return io == idx


def _router_body(logits_ref, bias_ref, d0_ref, d1_ref, wvec_ref, bexp_ref):
    logits = logits_ref[...]
    scores = 1.0 / (1.0 + jnp.exp(-logits))
    swb = scores + bias_ref[...]

    e_i = lax.broadcasted_iota(jnp.int32, (E, NGROUP), 0)
    g_i = lax.broadcasted_iota(jnp.int32, (E, NGROUP), 1)
    m_eg = ((e_i // GSZ) == g_i).astype(jnp.float32)
    g_j = lax.broadcasted_iota(jnp.int32, (NGROUP, E), 0)
    e_j = lax.broadcasted_iota(jnp.int32, (NGROUP, E), 1)
    m_ge = ((e_j // GSZ) == g_j).astype(jnp.float32)

    gs = jnp.dot(swb, m_eg, preferred_element_type=jnp.float32,
                 precision=lax.Precision.HIGHEST)
    p1 = _top1_mask(gs, NGROUP)
    p2 = _top1_mask(jnp.where(p1, -1e30, gs), NGROUP)
    gmask = jnp.logical_or(p1, p2).astype(jnp.float32)
    emask = jnp.dot(gmask, m_ge, preferred_element_type=jnp.float32,
                    precision=lax.Precision.HIGHEST)

    masked = jnp.where(emask > 0.5, swb, -1e9)
    oh1 = _top1_mask(masked, E)
    oh2 = _top1_mask(jnp.where(oh1, -1e30, masked), E)
    w1 = jnp.sum(jnp.where(oh1, scores, 0.0), axis=1, keepdims=True)
    w2 = jnp.sum(jnp.where(oh2, scores, 0.0), axis=1, keepdims=True)
    r = SCALE / (w1 + w2 + 1e-20)
    wvec_ref[...] = jnp.concatenate([w1 * r, w2 * r], axis=1)

    ohsum = jnp.where(oh1, 1.0, 0.0) + jnp.where(oh2, 1.0, 0.0)
    c = ohsum
    sh = 1
    while sh < T:
        c = c + jnp.concatenate(
            [jnp.zeros((sh, E), jnp.float32), c[: T - sh, :]], axis=0)
        sh *= 2

    counts = c[T - 1 : T, :]
    ci = counts.astype(jnp.int32)
    pc = ((ci + BLK - 1) // BLK) * BLK
    slt_i = lax.broadcasted_iota(jnp.int32, (E, E), 0)
    slt_j = lax.broadcasted_iota(jnp.int32, (E, E), 1)
    slt = (slt_i < slt_j).astype(jnp.float32)
    off = jnp.dot(pc.astype(jnp.float32), slt,
                  preferred_element_type=jnp.float32,
                  precision=lax.Precision.HIGHEST)

    slot = off + c - 1.0
    d0 = jnp.sum(jnp.where(oh1, slot, 0.0), axis=1, keepdims=True)
    d1 = jnp.sum(jnp.where(oh2, slot, 0.0), axis=1, keepdims=True)
    d0_ref[...] = d0.astype(jnp.int32)
    d1_ref[...] = d1.astype(jnp.int32)

    b_i = lax.broadcasted_iota(jnp.int32, (NBLK, E), 0)
    off_b = jnp.broadcast_to(off.astype(jnp.int32), (NBLK, E))
    cmp = (b_i * BLK >= off_b).astype(jnp.int32)
    bexp_ref[...] = jnp.sum(cmp, axis=1, keepdims=True) - 1


def _make_router():
    return pl.pallas_call(
        _router_body,
        out_shape=(
            jax.ShapeDtypeStruct((T, 1), jnp.int32),
            jax.ShapeDtypeStruct((T, 1), jnp.int32),
            jax.ShapeDtypeStruct((T, KTOP), jnp.float32),
            jax.ShapeDtypeStruct((NBLK, 1), jnp.int32),
        ),
        in_specs=[
            pl.BlockSpec((T, E), lambda: (0, 0)),
            pl.BlockSpec((1, E), lambda: (0, 0)),
        ],
        out_specs=(
            pl.BlockSpec((T, 1), lambda: (0, 0)),
            pl.BlockSpec((T, 1), lambda: (0, 0)),
            pl.BlockSpec((T, KTOP), lambda: (0, 0)),
            pl.BlockSpec((NBLK, 1), lambda: (0, 0)),
        ),
    )


_SC_MESH = plsc.VectorSubcoreMesh(core_axis_name="c", subcore_axis_name="s")


@functools.partial(
    pl.kernel,
    mesh=_SC_MESH,
    out_type=jax.ShapeDtypeStruct((P_ROWS, H), jnp.float32),
    scratch_types=[
        pltpu.VMEM((CHUNK,), jnp.int32),
        pltpu.VMEM((CHUNK, H), jnp.float32),
        pltpu.SemaphoreType.DMA,
    ],
)
def _sc_dispatch(x_hbm, d0_hbm, d1_hbm, xs_hbm, dst_v, rows_v, sem):
    nc = 2
    wid = lax.axis_index("s") * nc + lax.axis_index("c")
    k = wid // (NW // KTOP)
    t0 = (wid % (NW // KTOP)) * TOK_PER_W
    for s in range(TOK_PER_W // CHUNK):
        tb = t0 + s * CHUNK
        pltpu.sync_copy(x_hbm.at[pl.ds(tb, CHUNK)], rows_v)

        @pl.when(k == 0)
        def _():
            pltpu.sync_copy(d0_hbm.at[pl.ds(tb, CHUNK)], dst_v)

        @pl.when(k == 1)
        def _():
            pltpu.sync_copy(d1_hbm.at[pl.ds(tb, CHUNK)], dst_v)

        pltpu.async_copy(rows_v, xs_hbm.at[dst_v], sem).wait()


@functools.partial(
    pl.kernel,
    mesh=_SC_MESH,
    out_type=(
        jax.ShapeDtypeStruct((T, H), jnp.float32),
        jax.ShapeDtypeStruct((T, H), jnp.float32),
    ),
    scratch_types=[
        pltpu.VMEM((CHUNK,), jnp.int32),
        pltpu.VMEM((CHUNK, H), jnp.float32),
        pltpu.SemaphoreType.DMA,
    ],
)
def _sc_combine(d_hbm, d0_hbm, d1_hbm, g0_hbm, g1_hbm, dst_v, rows_v, sem):
    nc = 2
    wid = lax.axis_index("s") * nc + lax.axis_index("c")
    k = wid // (NW // KTOP)
    t0 = (wid % (NW // KTOP)) * TOK_PER_W
    for s in range(TOK_PER_W // CHUNK):
        tb = t0 + s * CHUNK

        @pl.when(k == 0)
        def _():
            pltpu.sync_copy(d0_hbm.at[pl.ds(tb, CHUNK)], dst_v)
            pltpu.async_copy(d_hbm.at[dst_v], rows_v, sem).wait()
            pltpu.sync_copy(rows_v, g0_hbm.at[pl.ds(tb, CHUNK)])

        @pl.when(k == 1)
        def _():
            pltpu.sync_copy(d1_hbm.at[pl.ds(tb, CHUNK)], dst_v)
            pltpu.async_copy(d_hbm.at[dst_v], rows_v, sem).wait()
            pltpu.sync_copy(rows_v, g1_hbm.at[pl.ds(tb, CHUNK)])


def _gemm_body(bexp_ref, xs_ref, wg_ref, wu_ref, wd_ref, o_ref):
    xb = xs_ref[...].astype(jnp.bfloat16)
    wg = wg_ref[0].astype(jnp.bfloat16)
    wu = wu_ref[0].astype(jnp.bfloat16)
    wd = wd_ref[0].astype(jnp.bfloat16)
    g = jnp.dot(xb, wg, preferred_element_type=jnp.float32)
    u = jnp.dot(xb, wu, preferred_element_type=jnp.float32)
    a = (_silu(g) * u).astype(jnp.bfloat16)
    o_ref[...] = jnp.dot(a, wd, preferred_element_type=jnp.float32)


def _make_gemm():
    return pl.pallas_call(
        _gemm_body,
        grid_spec=pltpu.PrefetchScalarGridSpec(
            num_scalar_prefetch=1,
            grid=(NBLK,),
            in_specs=[
                pl.BlockSpec((BLK, H), lambda i, bexp: (i, 0)),
                pl.BlockSpec((1, H, I), lambda i, bexp: (bexp[i], 0, 0)),
                pl.BlockSpec((1, H, I), lambda i, bexp: (bexp[i], 0, 0)),
                pl.BlockSpec((1, I, H), lambda i, bexp: (bexp[i], 0, 0)),
            ],
            out_specs=pl.BlockSpec((BLK, H), lambda i, bexp: (i, 0)),
        ),
        out_shape=jax.ShapeDtypeStruct((P_ROWS, H), jnp.float32),
        compiler_params=pltpu.CompilerParams(
            dimension_semantics=("arbitrary",),
        ),
    )


def _shared_body(x_ref, wsg_ref, wsu_ref, wsd_ref, dummy_ref, out_ref):
    xb = x_ref[...].astype(jnp.bfloat16)
    g = jnp.dot(xb, wsg_ref[...].astype(jnp.bfloat16),
                preferred_element_type=jnp.float32)
    u = jnp.dot(xb, wsu_ref[...].astype(jnp.bfloat16),
                preferred_element_type=jnp.float32)
    a = (_silu(g) * u).astype(jnp.bfloat16)
    out_ref[...] = jnp.dot(a, wsd_ref[...].astype(jnp.bfloat16),
                           preferred_element_type=jnp.float32)


def _make_shared(tb, off, dummy_spec):
    return pl.pallas_call(
        _shared_body,
        grid=(T // 2 // tb,),
        out_shape=jax.ShapeDtypeStruct((T // 2, H), jnp.float32),
        in_specs=[
            pl.BlockSpec((tb, H), lambda i: (i + off, 0)),
            pl.BlockSpec((H, SI), lambda i: (0, 0)),
            pl.BlockSpec((H, SI), lambda i: (0, 0)),
            pl.BlockSpec((SI, H), lambda i: (0, 0)),
            dummy_spec,
        ],
        out_specs=pl.BlockSpec((tb, H), lambda i: (i, 0)),
        compiler_params=pltpu.CompilerParams(
            dimension_semantics=("arbitrary",),
        ),
    )


def _add_body(sha_ref, shb_ref, wvec_ref, g0_ref, g1_ref, out_ref):
    i = pl.program_id(0)
    wv = wvec_ref[...]
    sh = jnp.where(i < 2, sha_ref[...], shb_ref[...])
    out_ref[...] = sh + wv[:, 0:1] * g0_ref[...] + wv[:, 1:2] * g1_ref[...]


def _make_add(tb):
    return pl.pallas_call(
        _add_body,
        grid=(T // tb,),
        out_shape=jax.ShapeDtypeStruct((T, H), jnp.float32),
        in_specs=[
            pl.BlockSpec((tb, H), lambda i: (jnp.clip(i, 0, 1), 0)),
            pl.BlockSpec((tb, H), lambda i: (jnp.clip(i - 2, 0, 1), 0)),
            pl.BlockSpec((tb, KTOP), lambda i: (i, 0)),
            pl.BlockSpec((tb, H), lambda i: (i, 0)),
            pl.BlockSpec((tb, H), lambda i: (i, 0)),
        ],
        out_specs=pl.BlockSpec((tb, H), lambda i: (i, 0)),
        compiler_params=pltpu.CompilerParams(
            dimension_semantics=("arbitrary",),
        ),
    )


def kernel(hidden_states, gate_weight, e_score_correction_bias,
           w_gate, w_up, w_down, ws_gate, ws_up, ws_down):
    x = hidden_states
    logits = jnp.dot(x, gate_weight.T).astype(jnp.float32)
    bias2 = e_score_correction_bias.reshape(1, E)

    d0, d1, wvec, bexp = _make_router()(logits, bias2)
    d0f = d0.reshape(T)
    d1f = d1.reshape(T)

    sha = _make_shared(512, 0, pl.BlockSpec((NBLK, 1), lambda i: (0, 0)))(
        x, ws_gate, ws_up, ws_down, bexp)
    xs = _sc_dispatch(x, d0f, d1f)
    d = _make_gemm()(bexp.reshape(NBLK), xs, w_gate, w_up, w_down)
    g0, g1 = _sc_combine(d, d0f, d1f)
    shb = _make_shared(512, 2, pl.BlockSpec((8, 128), lambda i: (0, 0)))(
        x, ws_gate, ws_up, ws_down, d)

    out = _make_add(512)(sha, shb, wvec, g0, g1)
    return out

# --- scband reference (transcript-rebuilt; emitter-appended) ---
"""Pipeline reference for scband-deepseekv3-mo-e-15161234555174 (READ-ONLY COPY).

The authoritative reference and input builder live on the scoring server;
editing this copy changes nothing except your own understanding.
"""

import jax, jax.numpy as jnp
import numpy as np

NUM_EXPERTS = 8
TOP_K = 2
N_GROUP = 4
TOPK_GROUP = 2
ROUTED_SCALING_FACTOR = 2.5
H = 1024
I = 512
SI = 1024
T = 2048


def setup_inputs(seed: int = 0) -> dict:
    key = jax.random.key(seed)
    ks = jax.random.split(key, 9)
    return {
        "hidden_states": jax.random.normal(ks[0], (T, H), jnp.float32),
        "gate_weight": jax.random.normal(ks[1], (NUM_EXPERTS, H), jnp.float32) * 0.02,
        "e_score_correction_bias": jax.random.normal(ks[2], (NUM_EXPERTS,), jnp.float32) * 0.01,
        "w_gate": jax.random.normal(ks[3], (NUM_EXPERTS, H, I), jnp.float32) * 0.02,
        "w_up": jax.random.normal(ks[4], (NUM_EXPERTS, H, I), jnp.float32) * 0.02,
        "w_down": jax.random.normal(ks[5], (NUM_EXPERTS, I, H), jnp.float32) * 0.02,
        "ws_gate": jax.random.normal(ks[6], (H, SI), jnp.float32) * 0.02,
        "ws_up": jax.random.normal(ks[7], (H, SI), jnp.float32) * 0.02,
        "ws_down": jax.random.normal(ks[8], (SI, H), jnp.float32) * 0.02,
    }


def _dsv3_routing(logits, bias):
    # DeepSeek-V3 noaux_tc routing: sigmoid scores + correction bias,
    # group-limited top-k, weights from un-biased scores, renormalize, scale.
    scores = jax.nn.sigmoid(logits)
    scores_with_bias = scores + bias[None, :]
    Tt, E = scores_with_bias.shape
    gsz = E // N_GROUP
    grouped = scores_with_bias.reshape(Tt, N_GROUP, gsz)
    # group score = sum of top-2 expert scores in each group
    k2 = min(2, gsz)
    group_scores = jnp.sum(jax.lax.top_k(grouped, k2)[0], axis=-1)
    _, gidx = jax.lax.top_k(group_scores, TOPK_GROUP)
    gmask = jnp.zeros((Tt, N_GROUP), jnp.float32).at[jnp.arange(Tt)[:, None], gidx].set(1.0)
    emask = jnp.repeat(gmask, gsz, axis=1)
    masked = jnp.where(emask > 0, scores_with_bias, -1e9)
    _, eidx = jax.lax.top_k(masked, TOP_K)
    w = jnp.take_along_axis(scores, eidx, axis=1)
    w = w / (jnp.sum(w, axis=1, keepdims=True) + 1e-20)
    return w * ROUTED_SCALING_FACTOR, eidx


def reference(hidden_states, gate_weight, e_score_correction_bias, w_gate, w_up, w_down, ws_gate, ws_up, ws_down):
    x = hidden_states
    # gate: router gemm, logits in float32
    logits = jnp.dot(x, gate_weight.T).astype(jnp.float32)
    weights, eidx = _dsv3_routing(logits, e_score_correction_bias)
    Tt = x.shape[0]
    # scatter routed weights into dense combine matrix (token, expert)
    combine = jnp.zeros((Tt, NUM_EXPERTS), x.dtype).at[jnp.arange(Tt)[:, None], eidx].add(weights.astype(x.dtype))
    # routed experts: gated MLP (silu) per expert, weighted combine
    g = jnp.einsum('th,ehi->tei', x, w_gate)
    u = jnp.einsum('th,ehi->tei', x, w_up)
    a = jax.nn.silu(g) * u
    d = jnp.einsum('tei,eih->teh', a, w_down)
    routed_output = jnp.einsum('teh,te->th', d, combine)
    # shared expert: gated MLP
    shared_output = jnp.dot(jax.nn.silu(jnp.dot(x, ws_gate)) * jnp.dot(x, ws_up), ws_down)
    # moe_reduce_add_shared_output: sum over experts already done in combine; add shared
    return shared_output + routed_output

if __name__ == "__main__":
    import jax
    _d = setup_inputs()
    print(jax.jit(kernel)(*tuple(_d.values())))

</pallas_src>

<mosaic_0001>
#map = affine_map<(d0, d1) -> (0, 0)>
#map1 = affine_map<(d0, d1) -> (0)>
module attributes {stable_mosaic.version = 14 : i64} {
  func.func @_sc_combine(%arg0: i32, %arg1: i32, %arg2: memref<6144x1024xf32, #tpu.memory_space<hbm>>, %arg3: memref<2048xi32, #tpu.memory_space<hbm>>, %arg4: memref<2048xi32, #tpu.memory_space<hbm>>, %arg5: memref<2048x1024xf32, #tpu.memory_space<hbm>>, %arg6: memref<2048x1024xf32, #tpu.memory_space<hbm>>, %arg7: memref<32xi32, #tpu.memory_space<vmem>>, %arg8: memref<32x1024xf32, #tpu.memory_space<vmem>>, %arg9: memref<!tpu.dma_semaphore, #tpu.memory_space<semaphore_mem>>) attributes {dimension_semantics = [#tpu.dimension_semantics<core_parallel>, #tpu.dimension_semantics<subcore_parallel>], iteration_bounds = array<i64: 2, 16>, scalar_prefetch = 0 : i64, scratch_operands = 3 : i64, tpu.core_type = #tpu.core_type<sc_vector_subcore>, window_params = [{transform_indices = #map}, {transform_indices = #map1}, {transform_indices = #map1}, {transform_indices = #map}, {transform_indices = #map}]} {
    %mul3A = arith.constant 2 : i32
    %mul3A_0 = arith.muli %arg1, %mul3A : i32
    %add3A = arith.addi %mul3A_0, %arg0 : i32
    %jit3A = arith.constant 16 : i32
    %div3A = arith.divsi %add3A, %jit3A : i32
    %sign3A = arith.constant 0 : i32
    %sign3A_1 = arith.cmpi sgt, %add3A, %sign3A : i32
    %sign3A_2 = arith.extui %sign3A_1 : i1 to i32
    %sign3A_3 = arith.constant 0 : i32
    %sign3A_4 = arith.cmpi slt, %add3A, %sign3A_3 : i32
    %sign3A_5 = arith.extui %sign3A_4 : i1 to i32
    %sign3A_6 = arith.subi %sign3A_2, %sign3A_5 : i32
    %sign3A_7 = arith.constant 0 : i32
    %sign3A_8 = arith.cmpi sgt, %jit3A, %sign3A_7 : i32
    %sign3A_9 = arith.extui %sign3A_8 : i1 to i32
    %sign3A_10 = arith.constant 0 : i32
    %sign3A_11 = arith.cmpi slt, %jit3A, %sign3A_10 : i32
    %sign3A_12 = arith.extui %sign3A_11 : i1 to i32
    %sign3A_13 = arith.subi %sign3A_9, %sign3A_12 : i32
    %ne3A = arith.cmpi ne, %sign3A_6, %sign3A_13 : i32
    %rem3A = arith.remsi %add3A, %jit3A : i32
    %ne3A_14 = arith.constant 0 : i32
    %ne3A_15 = arith.cmpi ne, %rem3A, %ne3A_14 : i32
    %and3A = arith.andi %ne3A, %ne3A_15 : i1
    %sub3A = arith.constant 1 : i32
    %sub3A_16 = arith.subi %div3A, %sub3A : i32
    %select_n3A = arith.select %and3A, %sub3A_16, %div3A : i32
    %jit3A_17 = arith.constant 16 : i32
    %eq3A = arith.constant 0 : i32
    %eq3A_18 = arith.cmpi eq, %jit3A_17, %eq3A : i32
    %jit3A_19 = arith.constant 1 : i32
    %select_n3A_20 = arith.select %eq3A_18, %jit3A_19, %jit3A_17 : i32
    %rem3A_21 = arith.remsi %add3A, %select_n3A_20 : i32
    %ne3A_22 = arith.constant 0 : i32
    %ne3A_23 = arith.cmpi ne, %rem3A_21, %ne3A_22 : i32
    %lt3A = arith.constant 0 : i32
    %lt3A_24 = arith.cmpi slt, %rem3A_21, %lt3A : i32
    %lt3A_25 = arith.constant 0 : i32
    %lt3A_26 = arith.cmpi slt, %select_n3A_20, %lt3A_25 : i32
    %ne3A_27 = arith.xori %lt3A_24, %lt3A_26 : i1
    %and3A_28 = arith.andi %ne3A_27, %ne3A_23 : i1
    %add3A_29 = arith.addi %rem3A_21, %select_n3A_20 : i32
    %select_n3A_30 = arith.select %and3A_28, %add3A_29, %rem3A_21 : i32
    %mul3A_31 = arith.constant 128 : i32
    %mul3A_32 = arith.muli %select_n3A_30, %mul3A_31 : i32
    %add3A_33 = arith.constant 0 : i32
    %add3A_34 = arith.addi %mul3A_32, %add3A_33 : i32
    %eq3A_35 = arith.constant 0 : i32
    %eq3A_36 = arith.cmpi eq, %select_n3A, %eq3A_35 : i32
    %convert_element_type3A = arith.extui %eq3A_36 : i1 to i32
    %cond3A = arith.constant 0 : i32
    %cond3A_37 = arith.cmpi ne, %convert_element_type3A, %cond3A : i32
    scf.if %cond3A_37 {
      "tpu.region"() ({
        %run_scoped3A = tpu.sem_alloc : memref<!tpu.dma_semaphore, #tpu.memory_space<semaphore_mem>>
        %dma_start3A_83 = tpu.memref_slice %arg3[%add3A_34] : memref<2048xi32, #tpu.memory_space<hbm>> -> memref<32xi32, #tpu.memory_space<hbm>>
        %dma_start3A_84 = tpu.memref_slice %arg3[%add3A_34] : memref<2048xi32, #tpu.memory_space<hbm>> -> memref<32xi32, #tpu.memory_space<hbm>>
        tpu.enqueue_dma source(%dma_start3A_84 : memref<32xi32, #tpu.memory_space<hbm>>) target(%arg7 : memref<32xi32, #tpu.memory_space<vmem>>) target_semaphore(%run_scoped3A : memref<!tpu.dma_semaphore, #tpu.memory_space<semaphore_mem>>)
        %dma_wait3A_85 = tpu.memref_slice %arg3[%add3A_34] : memref<2048xi32, #tpu.memory_space<hbm>> -> memref<32xi32, #tpu.memory_space<hbm>>
        %dma_wait3A_86 = tpu.memref_slice %arg3[%add3A_34] : memref<2048xi32, #tpu.memory_space<hbm>> -> memref<32xi32, #tpu.memory_space<hbm>>
        tpu.wait_dma2 semaphore(%run_scoped3A : memref<!tpu.dma_semaphore, #tpu.memory_space<semaphore_mem>>) src(%dma_wait3A_86 : memref<32xi32, #tpu.memory_space<hbm>>) dst(%arg7 : memref<32xi32, #tpu.memory_space<vmem>>)
        tpu.yield
      }) : () -> ()
      %dma_start3A = arith.constant 0 : i32
      %dma_start3A_79 = arith.constant 0 : i32
      %dma_start3A_80 = tpu.memref_slice %arg2[%dma_start3A, %dma_start3A_79] : memref<6144x1024xf32, #tpu.memory_space<hbm>> -> memref<6144x1024xf32, #tpu.memory_space<hbm>>
      tpu.enqueue_indirect_dma source(%dma_start3A_80 : memref<6144x1024xf32, #tpu.memory_space<hbm>>) target(%arg8 : memref<32x1024xf32, #tpu.memory_space<vmem>>) offsets(%arg7 : memref<32xi32, #tpu.memory_space<vmem>>) semaphore(%arg9 : memref<!tpu.dma_semaphore, #tpu.memory_space<semaphore_mem>>)
      %dma_wait3A = arith.constant 0 : i32
      %dma_wait3A_81 = arith.constant 0 : i32
      %dma_wait3A_82 = tpu.memref_slice %arg2[%dma_wait3A, %dma_wait3A_81] : memref<6144x1024xf32, #tpu.memory_space<hbm>> -> memref<6144x1024xf32, #tpu.memory_space<hbm>>
      tpu.wait_indirect_dma semaphore(%arg9 : memref<!tpu.dma_semaphore, #tpu.memory_space<semaphore_mem>>) src(%dma_wait3A_82 : memref<6144x1024xf32, #tpu.memory_space<hbm>>) dst(%arg8 : memref<32x1024xf32, #tpu.memory_space<vmem>>)
      "tpu.region"() ({
        %run_scoped3A = tpu.sem_alloc : memref<!tpu.dma_semaphore, #tpu.memory_space<semaphore_mem>>
        %dma_start3A_83 = arith.constant 0 : i32
        %dma_start3A_84 = tpu.memref_slice %arg5[%add3A_34, %dma_start3A_83] : memref<2048x1024xf32, #tpu.memory_space<hbm>> -> memref<32x1024xf32, #tpu.memory_space<hbm>>
        %dma_start3A_85 = arith.constant 0 : i32
        %dma_start3A_86 = tpu.memref_slice %arg5[%add3A_34, %dma_start3A_85] : memref<2048x1024xf32, #tpu.memory_space<hbm>> -> memref<32x1024xf32, #tpu.memory_space<hbm>>
        tpu.enqueue_dma source(%arg8 : memref<32x1024xf32, #tpu.memory_space<vmem>>) target(%dma_start3A_86 : memref<32x1024xf32, #tpu.memory_space<hbm>>) target_semaphore(%run_scoped3A : memref<!tpu.dma_semaphore, #tpu.memory_space<semaphore_mem>>)
        %dma_wait3A_87 = arith.constant 0 : i32
        %dma_wait3A_88 = tpu.memref_slice %arg5[%add3A_34, %dma_wait3A_87] : memref<2048x1024xf32, #tpu.memory_space<hbm>> -> memref<32x1024xf32, #tpu.memory_space<hbm>>
        %dma_wait3A_89 = arith.constant 0 : i32
        %dma_wait3A_90 = tpu.memref_slice %arg5[%add3A_34, %dma_wait3A_89] : memref<2048x1024xf32, #tpu.memory_space<hbm>> -> memref<32x1024xf32, #tpu.memory_space<hbm>>
        tpu.wait_dma2 semaphore(%run_scoped3A : memref<!tpu.dma_semaphore, #tpu.memory_space<semaphore_mem>>) src(%arg8 : memref<32x1024xf32, #tpu.memory_space<vmem>>) dst(%dma_wait3A_90 : memref<32x1024xf32, #tpu.memory_space<hbm>>)
        tpu.yield
      }) : () -> ()
    } else {
    }
    %eq3A_38 = arith.constant 1 : i32
    %eq3A_39 = arith.cmpi eq, %select_n3A, %eq3A_38 : i32
    %convert_element_type3A_40 = arith.extui %eq3A_39 : i1 to i32
    %cond3A_41 = arith.constant 0 : i32
    %cond3A_42 = arith.cmpi ne, %convert_element_type3A_40, %cond3A_41 : i32
    scf.if %cond3A_42 {
      "tpu.region"() ({
        %run_scoped3A = tpu.sem_alloc : memref<!tpu.dma_semaphore, #tpu.memory_space<semaphore_mem>>
        %dma_start3A_83 = tpu.memref_slice %arg4[%add3A_34] : memref<2048xi32, #tpu.memory_space<hbm>> -> memref<32xi32, #tpu.memory_space<hbm>>
        %dma_start3A_84 = tpu.memref_slice %arg4[%add3A_34] : memref<2048xi32, #tpu.memory_space<hbm>> -> memref<32xi32, #tpu.memory_space<hbm>>
        tpu.enqueue_dma source(%dma_start3A_84 : memref<32xi32, #tpu.memory_space<hbm>>) target(%arg7 : memref<32xi32, #tpu.memory_space<vmem>>) target_semaphore(%run_scoped3A : memref<!tpu.dma_semaphore, #tpu.memory_space<semaphore_mem>>)
        %dma_wait3A_85 = tpu.memref_slice %arg4[%add3A_34] : memref<2048xi32, #tpu.memory_space<hbm>> -> memref<32xi32, #tpu.memory_space<hbm>>
        %dma_wait3A_86 = tpu.memref_slice %arg4[%add3A_34] : memref<2048xi32, #tpu.memory_space<hbm>> -> memref<32xi32, #tpu.memory_space<hbm>>
        tpu.wait_dma2 semaphore(%run_scoped3A : memref<!tpu.dma_semaphore, #tpu.memory_space<semaphore_mem>>) src(%dma_wait3A_86 : memref<32xi32, #tpu.memory_space<hbm>>) dst(%arg7 : memref<32xi32, #tpu.memory_space<vmem>>)
        tpu.yield
      }) : () -> ()
      %dma_start3A = arith.constant 0 : i32
      %dma_start3A_79 = arith.constant 0 : i32
      %dma_start3A_80 = tpu.memref_slice %arg2[%dma_start3A, %dma_start3A_79] : memref<6144x1024xf32, #tpu.memory_space<hbm>> -> memref<6144x1024xf32, #tpu.memory_space<hbm>>
      tpu.enqueue_indirect_dma source(%dma_start3A_80 : memref<6144x1024xf32, #tpu.memory_space<hbm>>) target(%arg8 : memref<32x1024xf32, #tpu.memory_space<vmem>>) offsets(%arg7 : memref<32xi32, #tpu.memory_space<vmem>>) semaphore(%arg9 : memref<!tpu.dma_semaphore, #tpu.memory_space<semaphore_mem>>)
      %dma_wait3A = arith.constant 0 : i32
      %dma_wait3A_81 = arith.constant 0 : i32
      %dma_wait3A_82 = tpu.memref_slice %arg2[%dma_wait3A, %dma_wait3A_81] : memref<6144x1024xf32, #tpu.memory_space<hbm>> -> memref<6144x1024xf32, #tpu.memory_space<hbm>>
      tpu.wait_indirect_dma semaphore(%arg9 : memref<!tpu.dma_semaphore, #tpu.memory_space<semaphore_mem>>) src(%dma_wait3A_82 : memref<6144x1024xf32, #tpu.memory_space<hbm>>) dst(%arg8 : memref<32x1024xf32, #tpu.memory_space<vmem>>)
      "tpu.region"() ({
        %run_scoped3A = tpu.sem_alloc : memref<!tpu.dma_semaphore, #tpu.memory_space<semaphore_mem>>
        %dma_start3A_83 = arith.constant 0 : i32
        %dma_start3A_84 = tpu.memref_slice %arg6[%add3A_34, %dma_start3A_83] : memref<2048x1024xf32, #tpu.memory_space<hbm>> -> memref<32x1024xf32, #tpu.memory_space<hbm>>
        %dma_start3A_85 = arith.constant 0 : i32
        %dma_start3A_86 = tpu.memref_slice %arg6[%add3A_34, %dma_start3A_85] : memref<2048x1024xf32, #tpu.memory_space<hbm>> -> memref<32x1024xf32, #tpu.memory_space<hbm>>
        tpu.enqueue_dma source(%arg8 : memref<32x1024xf32, #tpu.memory_space<vmem>>) target(%dma_start3A_86 : memref<32x1024xf32, #tpu.memory_space<hbm>>) target_semaphore(%run_scoped3A : memref<!tpu.dma_semaphore, #tpu.memory_space<semaphore_mem>>)
        %dma_wait3A_87 = arith.constant 0 : i32
        %dma_wait3A_88 = tpu.memref_slice %arg6[%add3A_34, %dma_wait3A_87] : memref<2048x1024xf32, #tpu.memory_space<hbm>> -> memref<32x1024xf32, #tpu.memory_space<hbm>>
        %dma_wait3A_89 = arith.constant 0 : i32
        %dma_wait3A_90 = tpu.memref_slice %arg6[%add3A_34, %dma_wait3A_89] : memref<2048x1024xf32, #tpu.memory_space<hbm>> -> memref<32x1024xf32, #tpu.memory_space<hbm>>
        tpu.wait_dma2 semaphore(%run_scoped3A : memref<!tpu.dma_semaphore, #tpu.memory_space<semaphore_mem>>) src(%arg8 : memref<32x1024xf32, #tpu.memory_space<vmem>>) dst(%dma_wait3A_90 : memref<32x1024xf32, #tpu.memory_space<hbm>>)
        tpu.yield
      }) : () -> ()
    } else {
    }
    %add3A_43 = arith.constant 32 : i32
    %add3A_44 = arith.addi %mul3A_32, %add3A_43 : i32
    %eq3A_45 = arith.constant 0 : i32
    %eq3A_46 = arith.cmpi eq, %select_n3A, %eq3A_45 : i32
    %convert_element_type3A_47 = arith.extui %eq3A_46 : i1 to i32
    %cond3A_48 = arith.constant 0 : i32
    %cond3A_49 = arith.cmpi ne, %convert_element_type3A_47, %cond3A_48 : i32
    scf.if %cond3A_49 {
      "tpu.region"() ({
        %run_scoped3A = tpu.sem_alloc : memref<!tpu.dma_semaphore, #tpu.memory_space<semaphore_mem>>
        %dma_start3A_83 = tpu.memref_slice %arg3[%add3A_44] : memref<2048xi32, #tpu.memory_space<hbm>> -> memref<32xi32, #tpu.memory_space<hbm>>
        %dma_start3A_84 = tpu.memref_slice %arg3[%add3A_44] : memref<2048xi32, #tpu.memory_space<hbm>> -> memref<32xi32, #tpu.memory_space<hbm>>
        tpu.enqueue_dma source(%dma_start3A_84 : memref<32xi32, #tpu.memory_space<hbm>>) target(%arg7 : memref<32xi32, #tpu.memory_space<vmem>>) target_semaphore(%run_scoped3A : memref<!tpu.dma_semaphore, #tpu.memory_space<semaphore_mem>>)
        %dma_wait3A_85 = tpu.memref_slice %arg3[%add3A_44] : memref<2048xi32, #tpu.memory_space<hbm>> -> memref<32xi32, #tpu.memory_space<hbm>>
        %dma_wait3A_86 = tpu.memref_slice %arg3[%add3A_44] : memref<2048xi32, #tpu.memory_space<hbm>> -> memref<32xi32, #tpu.memory_space<hbm>>
        tpu.wait_dma2 semaphore(%run_scoped3A : memref<!tpu.dma_semaphore, #tpu.memory_space<semaphore_mem>>) src(%dma_wait3A_86 : memref<32xi32, #tpu.memory_space<hbm>>) dst(%arg7 : memref<32xi32, #tpu.memory_space<vmem>>)
        tpu.yield
      }) : () -> ()
      %dma_start3A = arith.constant 0 : i32
      %dma_start3A_79 = arith.constant 0 : i32
      %dma_start3A_80 = tpu.memref_slice %arg2[%dma_start3A, %dma_start3A_79] : memref<6144x1024xf32, #tpu.memory_space<hbm>> -> memref<6144x1024xf32, #tpu.memory_space<hbm>>
      tpu.enqueue_indirect_dma source(%dma_start3A_80 : memref<6144x1024xf32, #tpu.memory_space<hbm>>) target(%arg8 : memref<32x1024xf32, #tpu.memory_space<vmem>>) offsets(%arg7 : memref<32xi32, #tpu.memory_space<vmem>>) semaphore(%arg9 : memref<!tpu.dma_semaphore, #tpu.memory_space<semaphore_mem>>)
      %dma_wait3A = arith.constant 0 : i32
      %dma_wait3A_81 = arith.constant 0 : i32
      %dma_wait3A_82 = tpu.memref_slice %arg2[%dma_wait3A, %dma_wait3A_81] : memref<6144x1024xf32, #tpu.memory_space<hbm>> -> memref<6144x1024xf32, #tpu.memory_space<hbm>>
      tpu.wait_indirect_dma semaphore(%arg9 : memref<!tpu.dma_semaphore, #tpu.memory_space<semaphore_mem>>) src(%dma_wait3A_82 : memref<6144x1024xf32, #tpu.memory_space<hbm>>) dst(%arg8 : memref<32x1024xf32, #tpu.memory_space<vmem>>)
      "tpu.region"() ({
        %run_scoped3A = tpu.sem_alloc : memref<!tpu.dma_semaphore, #tpu.memory_space<semaphore_mem>>
        %dma_start3A_83 = arith.constant 0 : i32
        %dma_start3A_84 = tpu.memref_slice %arg5[%add3A_44, %dma_start3A_83] : memref<2048x1024xf32, #tpu.memory_space<hbm>> -> memref<32x1024xf32, #tpu.memory_space<hbm>>
        %dma_start3A_85 = arith.constant 0 : i32
        %dma_start3A_86 = tpu.memref_slice %arg5[%add3A_44, %dma_start3A_85] : memref<2048x1024xf32, #tpu.memory_space<hbm>> -> memref<32x1024xf32, #tpu.memory_space<hbm>>
        tpu.enqueue_dma source(%arg8 : memref<32x1024xf32, #tpu.memory_space<vmem>>) target(%dma_start3A_86 : memref<32x1024xf32, #tpu.memory_space<hbm>>) target_semaphore(%run_scoped3A : memref<!tpu.dma_semaphore, #tpu.memory_space<semaphore_mem>>)
        %dma_wait3A_87 = arith.constant 0 : i32
        %dma_wait3A_88 = tpu.memref_slice %arg5[%add3A_44, %dma_wait3A_87] : memref<2048x1024xf32, #tpu.memory_space<hbm>> -> memref<32x1024xf32, #tpu.memory_space<hbm>>
        %dma_wait3A_89 = arith.constant 0 : i32
        %dma_wait3A_90 = tpu.memref_slice %arg5[%add3A_44, %dma_wait3A_89] : memref<2048x1024xf32, #tpu.memory_space<hbm>> -> memref<32x1024xf32, #tpu.memory_space<hbm>>
        tpu.wait_dma2 semaphore(%run_scoped3A : memref<!tpu.dma_semaphore, #tpu.memory_space<semaphore_mem>>) src(%arg8 : memref<32x1024xf32, #tpu.memory_space<vmem>>) dst(%dma_wait3A_90 : memref<32x1024xf32, #tpu.memory_space<hbm>>)
        tpu.yield
      }) : () -> ()
    } else {
    }
    %eq3A_50 = arith.constant 1 : i32
    %eq3A_51 = arith.cmpi eq, %select_n3A, %eq3A_50 : i32
    %convert_element_type3A_52 = arith.extui %eq3A_51 : i1 to i32
    %cond3A_53 = arith.constant 0 : i32
    %cond3A_54 = arith.cmpi ne, %convert_element_type3A_52, %cond3A_53 : i32
    scf.if %cond3A_54 {
      "tpu.region"() ({
        %run_scoped3A = tpu.sem_alloc : memref<!tpu.dma_semaphore, #tpu.memory_space<semaphore_mem>>
        %dma_start3A_83 = tpu.memref_slice %arg4[%add3A_44] : memref<2048xi32, #tpu.memory_space<hbm>> -> memref<32xi32, #tpu.memory_space<hbm>>
        %dma_start3A_84 = tpu.memref_slice %arg4[%add3A_44] : memref<2048xi32, #tpu.memory_space<hbm>> -> memref<32xi32, #tpu.memory_space<hbm>>
        tpu.enqueue_dma source(%dma_start3A_84 : memref<32xi32, #tpu.memory_space<hbm>>) target(%arg7 : memref<32xi32, #tpu.memory_space<vmem>>) target_semaphore(%run_scoped3A : memref<!tpu.dma_semaphore, #tpu.memory_space<semaphore_mem>>)
        %dma_wait3A_85 = tpu.memref_slice %arg4[%add3A_44] : memref<2048xi32, #tpu.memory_space<hbm>> -> memref<32xi32, #tpu.memory_space<hbm>>
        %dma_wait3A_86 = tpu.memref_slice %arg4[%add3A_44] : memref<2048xi32, #tpu.memory_space<hbm>> -> memref<32xi32, #tpu.memory_space<hbm>>
        tpu.wait_dma2 semaphore(%run_scoped3A : memref<!tpu.dma_semaphore, #tpu.memory_space<semaphore_mem>>) src(%dma_wait3A_86 : memref<32xi32, #tpu.memory_space<hbm>>) dst(%arg7 : memref<32xi32, #tpu.memory_space<vmem>>)
        tpu.yield
      }) : () -> ()
      %dma_start3A = arith.constant 0 : i32
      %dma_start3A_79 = arith.constant 0 : i32
      %dma_start3A_80 = tpu.memref_slice %arg2[%dma_start3A, %dma_start3A_79] : memref<6144x1024xf32, #tpu.memory_space<hbm>> -> memref<6144x1024xf32, #tpu.memory_space<hbm>>
      tpu.enqueue_indirect_dma source(%dma_start3A_80 : memref<6144x1024xf32, #tpu.memory_space<hbm>>) target(%arg8 : memref<32x1024xf32, #tpu.memory_space<vmem>>) offsets(%arg7 : memref<32xi32, #tpu.memory_space<vmem>>) semaphore(%arg9 : memref<!tpu.dma_semaphore, #tpu.memory_space<semaphore_mem>>)
      %dma_wait3A = arith.constant 0 : i32
      %dma_wait3A_81 = arith.constant 0 : i32
      %dma_wait3A_82 = tpu.memref_slice %arg2[%dma_wait3A, %dma_wait3A_81] : memref<6144x1024xf32, #tpu.memory_space<hbm>> -> memref<6144x1024xf32, #tpu.memory_space<hbm>>
      tpu.wait_indirect_dma semaphore(%arg9 : memref<!tpu.dma_semaphore, #tpu.memory_space<semaphore_mem>>) src(%dma_wait3A_82 : memref<6144x1024xf32, #tpu.memory_space<hbm>>) dst(%arg8 : memref<32x1024xf32, #tpu.memory_space<vmem>>)
      "tpu.region"() ({
        %run_scoped3A = tpu.sem_alloc : memref<!tpu.dma_semaphore, #tpu.memory_space<semaphore_mem>>
        %dma_start3A_83 = arith.constant 0 : i32
        %dma_start3A_84 = tpu.memref_slice %arg6[%add3A_44, %dma_start3A_83] : memref<2048x1024xf32, #tpu.memory_space<hbm>> -> memref<32x1024xf32, #tpu.memory_space<hbm>>
        %dma_start3A_85 = arith.constant 0 : i32
        %dma_start3A_86 = tpu.memref_slice %arg6[%add3A_44, %dma_start3A_85] : memref<2048x1024xf32, #tpu.memory_space<hbm>> -> memref<32x1024xf32, #tpu.memory_space<hbm>>
        tpu.enqueue_dma source(%arg8 : memref<32x1024xf32, #tpu.memory_space<vmem>>) target(%dma_start3A_86 : memref<32x1024xf32, #tpu.memory_space<hbm>>) target_semaphore(%run_scoped3A : memref<!tpu.dma_semaphore, #tpu.memory_space<semaphore_mem>>)
        %dma_wait3A_87 = arith.constant 0 : i32
        %dma_wait3A_88 = tpu.memref_slice %arg6[%add3A_44, %dma_wait3A_87] : memref<2048x1024xf32, #tpu.memory_space<hbm>> -> memref<32x1024xf32, #tpu.memory_space<hbm>>
        %dma_wait3A_89 = arith.constant 0 : i32
        %dma_wait3A_90 = tpu.memref_slice %arg6[%add3A_44, %dma_wait3A_89] : memref<2048x1024xf32, #tpu.memory_space<hbm>> -> memref<32x1024xf32, #tpu.memory_space<hbm>>
        tpu.wait_dma2 semaphore(%run_scoped3A : memref<!tpu.dma_semaphore, #tpu.memory_space<semaphore_mem>>) src(%arg8 : memref<32x1024xf32, #tpu.memory_space<vmem>>) dst(%dma_wait3A_90 : memref<32x1024xf32, #tpu.memory_space<hbm>>)
        tpu.yield
      }) : () -> ()
    } else {
    }
    %add3A_55 = arith.constant 64 : i32
    %add3A_56 = arith.addi %mul3A_32, %add3A_55 : i32
    %eq3A_57 = arith.constant 0 : i32
    %eq3A_58 = arith.cmpi eq, %select_n3A, %eq3A_57 : i32
    %convert_element_type3A_59 = arith.extui %eq3A_58 : i1 to i32
    %cond3A_60 = arith.constant 0 : i32
    %cond3A_61 = arith.cmpi ne, %convert_element_type3A_59, %cond3A_60 : i32
    scf.if %cond3A_61 {
      "tpu.region"() ({
        %run_scoped3A = tpu.sem_alloc : memref<!tpu.dma_semaphore, #tpu.memory_space<semaphore_mem>>
        %dma_start3A_83 = tpu.memref_slice %arg3[%add3A_56] : memref<2048xi32, #tpu.memory_space<hbm>> -> memref<32xi32, #tpu.memory_space<hbm>>
        %dma_start3A_84 = tpu.memref_slice %arg3[%add3A_56] : memref<2048xi32, #tpu.memory_space<hbm>> -> memref<32xi32, #tpu.memory_space<hbm>>
        tpu.enqueue_dma source(%dma_start3A_84 : memref<32xi32, #tpu.memory_space<hbm>>) target(%arg7 : memref<32xi32, #tpu.memory_space<vmem>>) target_semaphore(%run_scoped3A : memref<!tpu.dma_semaphore, #tpu.memory_space<semaphore_mem>>)
        %dma_wait3A_85 = tpu.memref_slice %arg3[%add3A_56] : memref<2048xi32, #tpu.memory_space<hbm>> -> memref<32xi32, #tpu.memory_space<hbm>>
        %dma_wait3A_86 = tpu.memref_slice %arg3[%add3A_56] : memref<2048xi32, #tpu.memory_space<hbm>> -> memref<32xi32, #tpu.memory_space<hbm>>
        tpu.wait_dma2 semaphore(%run_scoped3A : memref<!tpu.dma_semaphore, #tpu.memory_space<semaphore_mem>>) src(%dma_wait3A_86 : memref<32xi32, #tpu.memory_space<hbm>>) dst(%arg7 : memref<32xi32, #tpu.memory_space<vmem>>)
        tpu.yield
      }) : () -> ()
      %dma_start3A = arith.constant 0 : i32
      %dma_start3A_79 = arith.constant 0 : i32
      %dma_start3A_80 = tpu.memref_slice %arg2[%dma_start3A, %dma_start3A_79] : memref<6144x1024xf32, #tpu.memory_space<hbm>> -> memref<6144x1024xf32, #tpu.memory_space<hbm>>
      tpu.enqueue_indirect_dma source(%dma_start3A_80 : memref<6144x1024xf32, #tpu.memory_space<hbm>>) target(%arg8 : memref<32x1024xf32, #tpu.memory_space<vmem>>) offsets(%arg7 : memref<32xi32, #tpu.memory_space<vmem>>) semaphore(%arg9 : memref<!tpu.dma_semaphore, #tpu.memory_space<semaphore_mem>>)
      %dma_wait3A = arith.constant 0 : i32
      %dma_wait3A_81 = arith.constant 0 : i32
      %dma_wait3A_82 = tpu.memref_slice %arg2[%dma_wait3A, %dma_wait3A_81] : memref<6144x1024xf32, #tpu.memory_space<hbm>> -> memref<6144x1024xf32, #tpu.memory_space<hbm>>
      tpu.wait_indirect_dma semaphore(%arg9 : memref<!tpu.dma_semaphore, #tpu.memory_space<semaphore_mem>>) src(%dma_wait3A_82 : memref<6144x1024xf32, #tpu.memory_space<hbm>>) dst(%arg8 : memref<32x1024xf32, #tpu.memory_space<vmem>>)
      "tpu.region"() ({
        %run_scoped3A = tpu.sem_alloc : memref<!tpu.dma_semaphore, #tpu.memory_space<semaphore_mem>>
        %dma_start3A_83 = arith.constant 0 : i32
        %dma_start3A_84 = tpu.memref_slice %arg5[%add3A_56, %dma_start3A_83] : memref<2048x1024xf32, #tpu.memory_space<hbm>> -> memref<32x1024xf32, #tpu.memory_space<hbm>>
        %dma_start3A_85 = arith.constant 0 : i32
        %dma_start3A_86 = tpu.memref_slice %arg5[%add3A_56, %dma_start3A_85] : memref<2048x1024xf32, #tpu.memory_space<hbm>> -> memref<32x1024xf32, #tpu.memory_space<hbm>>
        tpu.enqueue_dma source(%arg8 : memref<32x1024xf32, #tpu.memory_space<vmem>>) target(%dma_start3A_86 : memref<32x1024xf32, #tpu.memory_space<hbm>>) target_semaphore(%run_scoped3A : memref<!tpu.dma_semaphore, #tpu.memory_space<semaphore_mem>>)
        %dma_wait3A_87 = arith.constant 0 : i32
        %dma_wait3A_88 = tpu.memref_slice %arg5[%add3A_56, %dma_wait3A_87] : memref<2048x1024xf32, #tpu.memory_space<hbm>> -> memref<32x1024xf32, #tpu.memory_space<hbm>>
        %dma_wait3A_89 = arith.constant 0 : i32
        %dma_wait3A_90 = tpu.memref_slice %arg5[%add3A_56, %dma_wait3A_89] : memref<2048x1024xf32, #tpu.memory_space<hbm>> -> memref<32x1024xf32, #tpu.memory_space<hbm>>
        tpu.wait_dma2 semaphore(%run_scoped3A : memref<!tpu.dma_semaphore, #tpu.memory_space<semaphore_mem>>) src(%arg8 : memref<32x1024xf32, #tpu.memory_space<vmem>>) dst(%dma_wait3A_90 : memref<32x1024xf32, #tpu.memory_space<hbm>>)
        tpu.yield
      }) : () -> ()
    } else {
    }
    %eq3A_62 = arith.constant 1 : i32
    %eq3A_63 = arith.cmpi eq, %select_n3A, %eq3A_62 : i32
    %convert_element_type3A_64 = arith.extui %eq3A_63 : i1 to i32
    %cond3A_65 = arith.constant 0 : i32
    %cond3A_66 = arith.cmpi ne, %convert_element_type3A_64, %cond3A_65 : i32
    scf.if %cond3A_66 {
      "tpu.region"() ({
        %run_scoped3A = tpu.sem_alloc : memref<!tpu.dma_semaphore, #tpu.memory_space<semaphore_mem>>
        %dma_start3A_83 = tpu.memref_slice %arg4[%add3A_56] : memref<2048xi32, #tpu.memory_space<hbm>> -> memref<32xi32, #tpu.memory_space<hbm>>
        %dma_start3A_84 = tpu.memref_slice %arg4[%add3A_56] : memref<2048xi32, #tpu.memory_space<hbm>> -> memref<32xi32, #tpu.memory_space<hbm>>
        tpu.enqueue_dma source(%dma_start3A_84 : memref<32xi32, #tpu.memory_space<hbm>>) target(%arg7 : memref<32xi32, #tpu.memory_space<vmem>>) target_semaphore(%run_scoped3A : memref<!tpu.dma_semaphore, #tpu.memory_space<semaphore_mem>>)
        %dma_wait3A_85 = tpu.memref_slice %arg4[%add3A_56] : memref<2048xi32, #tpu.memory_space<hbm>> -> memref<32xi32, #tpu.memory_space<hbm>>
        %dma_wait3A_86 = tpu.memref_slice %arg4[%add3A_56] : memref<2048xi32, #tpu.memory_space<hbm>> -> memref<32xi32, #tpu.memory_space<hbm>>
        tpu.wait_dma2 semaphore(%run_scoped3A : memref<!tpu.dma_semaphore, #tpu.memory_space<semaphore_mem>>) src(%dma_wait3A_86 : memref<32xi32, #tpu.memory_space<hbm>>) dst(%arg7 : memref<32xi32, #tpu.memory_space<vmem>>)
        tpu.yield
      }) : () -> ()
      %dma_start3A = arith.constant 0 : i32
      %dma_start3A_79 = arith.constant 0 : i32
      %dma_start3A_80 = tpu.memref_slice %arg2[%dma_start3A, %dma_start3A_79] : memref<6144x1024xf32, #tpu.memory_space<hbm>> -> memref<6144x1024xf32, #tpu.memory_space<hbm>>
      tpu.enqueue_indirect_dma source(%dma_start3A_80 : memref<6144x1024xf32, #tpu.memory_space<hbm>>) target(%arg8 : memref<32x1024xf32, #tpu.memory_space<vmem>>) offsets(%arg7 : memref<32xi32, #tpu.memory_space<vmem>>) semaphore(%arg9 : memref<!tpu.dma_semaphore, #tpu.memory_space<semaphore_mem>>)
      %dma_wait3A = arith.constant 0 : i32
      %dma_wait3A_81 = arith.constant 0 : i32
      %dma_wait3A_82 = tpu.memref_slice %arg2[%dma_wait3A, %dma_wait3A_81] : memref<6144x1024xf32, #tpu.memory_space<hbm>> -> memref<6144x1024xf32, #tpu.memory_space<hbm>>
      tpu.wait_indirect_dma semaphore(%arg9 : memref<!tpu.dma_semaphore, #tpu.memory_space<semaphore_mem>>) src(%dma_wait3A_82 : memref<6144x1024xf32, #tpu.memory_space<hbm>>) dst(%arg8 : memref<32x1024xf32, #tpu.memory_space<vmem>>)
      "tpu.region"() ({
        %run_scoped3A = tpu.sem_alloc : memref<!tpu.dma_semaphore, #tpu.memory_space<semaphore_mem>>
        %dma_start3A_83 = arith.constant 0 : i32
        %dma_start3A_84 = tpu.memref_slice %arg6[%add3A_56, %dma_start3A_83] : memref<2048x1024xf32, #tpu.memory_space<hbm>> -> memref<32x1024xf32, #tpu.memory_space<hbm>>
        %dma_start3A_85 = arith.constant 0 : i32
        %dma_start3A_86 = tpu.memref_slice %arg6[%add3A_56, %dma_start3A_85] : memref<2048x1024xf32, #tpu.memory_space<hbm>> -> memref<32x1024xf32, #tpu.memory_space<hbm>>
        tpu.enqueue_dma source(%arg8 : memref<32x1024xf32, #tpu.memory_space<vmem>>) target(%dma_start3A_86 : memref<32x1024xf32, #tpu.memory_space<hbm>>) target_semaphore(%run_scoped3A : memref<!tpu.dma_semaphore, #tpu.memory_space<semaphore_mem>>)
        %dma_wait3A_87 = arith.constant 0 : i32
        %dma_wait3A_88 = tpu.memref_slice %arg6[%add3A_56, %dma_wait3A_87] : memref<2048x1024xf32, #tpu.memory_space<hbm>> -> memref<32x1024xf32, #tpu.memory_space<hbm>>
        %dma_wait3A_89 = arith.constant 0 : i32
        %dma_wait3A_90 = tpu.memref_slice %arg6[%add3A_56, %dma_wait3A_89] : memref<2048x1024xf32, #tpu.memory_space<hbm>> -> memref<32x1024xf32, #tpu.memory_space<hbm>>
        tpu.wait_dma2 semaphore(%run_scoped3A : memref<!tpu.dma_semaphore, #tpu.memory_space<semaphore_mem>>) src(%arg8 : memref<32x1024xf32, #tpu.memory_space<vmem>>) dst(%dma_wait3A_90 : memref<32x1024xf32, #tpu.memory_space<hbm>>)
        tpu.yield
      }) : () -> ()
    } else {
    }
    %add3A_67 = arith.constant 96 : i32
    %add3A_68 = arith.addi %mul3A_32, %add3A_67 : i32
    %eq3A_69 = arith.constant 0 : i32
    %eq3A_70 = arith.cmpi eq, %select_n3A, %eq3A_69 : i32
    %convert_element_type3A_71 = arith.extui %eq3A_70 : i1 to i32
    %cond3A_72 = arith.constant 0 : i32
    %cond3A_73 = arith.cmpi ne, %convert_element_type3A_71, %cond3A_72 : i32
    scf.if %cond3A_73 {
      "tpu.region"() ({
        %run_scoped3A = tpu.sem_alloc : memref<!tpu.dma_semaphore, #tpu.memory_space<semaphore_mem>>
        %dma_start3A_83 = tpu.memref_slice %arg3[%add3A_68] : memref<2048xi32, #tpu.memory_space<hbm>> -> memref<32xi32, #tpu.memory_space<hbm>>
        %dma_start3A_84 = tpu.memref_slice %arg3[%add3A_68] : memref<2048xi32, #tpu.memory_space<hbm>> -> memref<32xi32, #tpu.memory_space<hbm>>
        tpu.enqueue_dma source(%dma_start3A_84 : memref<32xi32, #tpu.memory_space<hbm>>) target(%arg7 : memref<32xi32, #tpu.memory_space<vmem>>) target_semaphore(%run_scoped3A : memref<!tpu.dma_semaphore, #tpu.memory_space<semaphore_mem>>)
        %dma_wait3A_85 = tpu.memref_slice %arg3[%add3A_68] : memref<2048xi32, #tpu.memory_space<hbm>> -> memref<32xi32, #tpu.memory_space<hbm>>
        %dma_wait3A_86 = tpu.memref_slice %arg3[%add3A_68] : memref<2048xi32, #tpu.memory_space<hbm>> -> memref<32xi32, #tpu.memory_space<hbm>>
        tpu.wait_dma2 semaphore(%run_scoped3A : memref<!tpu.dma_semaphore, #tpu.memory_space<semaphore_mem>>) src(%dma_wait3A_86 : memref<32xi32, #tpu.memory_space<hbm>>) dst(%arg7 : memref<32xi32, #tpu.memory_space<vmem>>)
        tpu.yield
      }) : () -> ()
      %dma_start3A = arith.constant 0 : i32
      %dma_start3A_79 = arith.constant 0 : i32
      %dma_start3A_80 = tpu.memref_slice %arg2[%dma_start3A, %dma_start3A_79] : memref<6144x1024xf32, #tpu.memory_space<hbm>> -> memref<6144x1024xf32, #tpu.memory_space<hbm>>
      tpu.enqueue_indirect_dma source(%dma_start3A_80 : memref<6144x1024xf32, #tpu.memory_space<hbm>>) target(%arg8 : memref<32x1024xf32, #tpu.memory_space<vmem>>) offsets(%arg7 : memref<32xi32, #tpu.memory_space<vmem>>) semaphore(%arg9 : memref<!tpu.dma_semaphore, #tpu.memory_space<semaphore_mem>>)
      %dma_wait3A = arith.constant 0 : i32
      %dma_wait3A_81 = arith.constant 0 : i32
      %dma_wait3A_82 = tpu.memref_slice %arg2[%dma_wait3A, %dma_wait3A_81] : memref<6144x1024xf32, #tpu.memory_space<hbm>> -> memref<6144x1024xf32, #tpu.memory_space<hbm>>
      tpu.wait_indirect_dma semaphore(%arg9 : memref<!tpu.dma_semaphore, #tpu.memory_space<semaphore_mem>>) src(%dma_wait3A_82 : memref<6144x1024xf32, #tpu.memory_space<hbm>>) dst(%arg8 : memref<32x1024xf32, #tpu.memory_space<vmem>>)
      "tpu.region"() ({
        %run_scoped3A = tpu.sem_alloc : memref<!tpu.dma_semaphore, #tpu.memory_space<semaphore_mem>>
        %dma_start3A_83 = arith.constant 0 : i32
        %dma_start3A_84 = tpu.memref_slice %arg5[%add3A_68, %dma_start3A_83] : memref<2048x1024xf32, #tpu.memory_space<hbm>> -> memref<32x1024xf32, #tpu.memory_space<hbm>>
        %dma_start3A_85 = arith.constant 0 : i32
        %dma_start3A_86 = tpu.memref_slice %arg5[%add3A_68, %dma_start3A_85] : memref<2048x1024xf32, #tpu.memory_space<hbm>> -> memref<32x1024xf32, #tpu.memory_space<hbm>>
        tpu.enqueue_dma source(%arg8 : memref<32x1024xf32, #tpu.memory_space<vmem>>) target(%dma_start3A_86 : memref<32x1024xf32, #tpu.memory_space<hbm>>) target_semaphore(%run_scoped3A : memref<!tpu.dma_semaphore, #tpu.memory_space<semaphore_mem>>)
        %dma_wait3A_87 = arith.constant 0 : i32
        %dma_wait3A_88 = tpu.memref_slice %arg5[%add3A_68, %dma_wait3A_87] : memref<2048x1024xf32, #tpu.memory_space<hbm>> -> memref<32x1024xf32, #tpu.memory_space<hbm>>
        %dma_wait3A_89 = arith.constant 0 : i32
        %dma_wait3A_90 = tpu.memref_slice %arg5[%add3A_68, %dma_wait3A_89] : memref<2048x1024xf32, #tpu.memory_space<hbm>> -> memref<32x1024xf32, #tpu.memory_space<hbm>>
        tpu.wait_dma2 semaphore(%run_scoped3A : memref<!tpu.dma_semaphore, #tpu.memory_space<semaphore_mem>>) src(%arg8 : memref<32x1024xf32, #tpu.memory_space<vmem>>) dst(%dma_wait3A_90 : memref<32x1024xf32, #tpu.memory_space<hbm>>)
        tpu.yield
      }) : () -> ()
    } else {
    }
    %eq3A_74 = arith.constant 1 : i32
    %eq3A_75 = arith.cmpi eq, %select_n3A, %eq3A_74 : i32
    %convert_element_type3A_76 = arith.extui %eq3A_75 : i1 to i32
    %cond3A_77 = arith.constant 0 : i32
    %cond3A_78 = arith.cmpi ne, %convert_element_type3A_76, %cond3A_77 : i32
    scf.if %cond3A_78 {
      "tpu.region"() ({
        %run_scoped3A = tpu.sem_alloc : memref<!tpu.dma_semaphore, #tpu.memory_space<semaphore_mem>>
        %dma_start3A_83 = tpu.memref_slice %arg4[%add3A_68] : memref<2048xi32, #tpu.memory_space<hbm>> -> memref<32xi32, #tpu.memory_space<hbm>>
        %dma_start3A_84 = tpu.memref_slice %arg4[%add3A_68] : memref<2048xi32, #tpu.memory_space<hbm>> -> memref<32xi32, #tpu.memory_space<hbm>>
        tpu.enqueue_dma source(%dma_start3A_84 : memref<32xi32, #tpu.memory_space<hbm>>) target(%arg7 : memref<32xi32, #tpu.memory_space<vmem>>) target_semaphore(%run_scoped3A : memref<!tpu.dma_semaphore, #tpu.memory_space<semaphore_mem>>)
        %dma_wait3A_85 = tpu.memref_slice %arg4[%add3A_68] : memref<2048xi32, #tpu.memory_space<hbm>> -> memref<32xi32, #tpu.memory_space<hbm>>
        %dma_wait3A_86 = tpu.memref_slice %arg4[%add3A_68] : memref<2048xi32, #tpu.memory_space<hbm>> -> memref<32xi32, #tpu.memory_space<hbm>>
        tpu.wait_dma2 semaphore(%run_scoped3A : memref<!tpu.dma_semaphore, #tpu.memory_space<semaphore_mem>>) src(%dma_wait3A_86 : memref<32xi32, #tpu.memory_space<hbm>>) dst(%arg7 : memref<32xi32, #tpu.memory_space<vmem>>)
        tpu.yield
      }) : () -> ()
      %dma_start3A = arith.constant 0 : i32
      %dma_start3A_79 = arith.constant 0 : i32
      %dma_start3A_80 = tpu.memref_slice %arg2[%dma_start3A, %dma_start3A_79] : memref<6144x1024xf32, #tpu.memory_space<hbm>> -> memref<6144x1024xf32, #tpu.memory_space<hbm>>
      tpu.enqueue_indirect_dma source(%dma_start3A_80 : memref<6144x1024xf32, #tpu.memory_space<hbm>>) target(%arg8 : memref<32x1024xf32, #tpu.memory_space<vmem>>) offsets(%arg7 : memref<32xi32, #tpu.memory_space<vmem>>) semaphore(%arg9 : memref<!tpu.dma_semaphore, #tpu.memory_space<semaphore_mem>>)
      %dma_wait3A = arith.constant 0 : i32
      %dma_wait3A_81 = arith.constant 0 : i32
      %dma_wait3A_82 = tpu.memref_slice %arg2[%dma_wait3A, %dma_wait3A_81] : memref<6144x1024xf32, #tpu.memory_space<hbm>> -> memref<6144x1024xf32, #tpu.memory_space<hbm>>
      tpu.wait_indirect_dma semaphore(%arg9 : memref<!tpu.dma_semaphore, #tpu.memory_space<semaphore_mem>>) src(%dma_wait3A_82 : memref<6144x1024xf32, #tpu.memory_space<hbm>>) dst(%arg8 : memref<32x1024xf32, #tpu.memory_space<vmem>>)
      "tpu.region"() ({
        %run_scoped3A = tpu.sem_alloc : memref<!tpu.dma_semaphore, #tpu.memory_space<semaphore_mem>>
        %dma_start3A_83 = arith.constant 0 : i32
        %dma_start3A_84 = tpu.memref_slice %arg6[%add3A_68, %dma_start3A_83] : memref<2048x1024xf32, #tpu.memory_space<hbm>> -> memref<32x1024xf32, #tpu.memory_space<hbm>>
        %dma_start3A_85 = arith.constant 0 : i32
        %dma_start3A_86 = tpu.memref_slice %arg6[%add3A_68, %dma_start3A_85] : memref<2048x1024xf32, #tpu.memory_space<hbm>> -> memref<32x1024xf32, #tpu.memory_space<hbm>>
        tpu.enqueue_dma source(%arg8 : memref<32x1024xf32, #tpu.memory_space<vmem>>) target(%dma_start3A_86 : memref<32x1024xf32, #tpu.memory_space<hbm>>) target_semaphore(%run_scoped3A : memref<!tpu.dma_semaphore, #tpu.memory_space<semaphore_mem>>)
        %dma_wait3A_87 = arith.constant 0 : i32
        %dma_wait3A_88 = tpu.memref_slice %arg6[%add3A_68, %dma_wait3A_87] : memref<2048x1024xf32, #tpu.memory_space<hbm>> -> memref<32x1024xf32, #tpu.memory_space<hbm>>
        %dma_wait3A_89 = arith.constant 0 : i32
        %dma_wait3A_90 = tpu.memref_slice %arg6[%add3A_68, %dma_wait3A_89] : memref<2048x1024xf32, #tpu.memory_space<hbm>> -> memref<32x1024xf32, #tpu.memory_space<hbm>>
        tpu.wait_dma2 semaphore(%run_scoped3A : memref<!tpu.dma_semaphore, #tpu.memory_space<semaphore_mem>>) src(%arg8 : memref<32x1024xf32, #tpu.memory_space<vmem>>) dst(%dma_wait3A_90 : memref<32x1024xf32, #tpu.memory_space<hbm>>)
        tpu.yield
      }) : () -> ()
    } else {
    }
    return
  }
}

#map = affine_map<(d0, d1) -> (0, 0)>
#map1 = affine_map<(d0, d1) -> (0)>
module attributes {stable_mosaic.version = 14 : i64} {
  func.func @_sc_dispatch(%arg0: i32, %arg1: i32, %arg2: memref<2048x1024xf32, #tpu.memory_space<hbm>>, %arg3: memref<2048xi32, #tpu.memory_space<hbm>>, %arg4: memref<2048xi32, #tpu.memory_space<hbm>>, %arg5: memref<6144x1024xf32, #tpu.memory_space<hbm>>, %arg6: memref<32xi32, #tpu.memory_space<vmem>>, %arg7: memref<32x1024xf32, #tpu.memory_space<vmem>>, %arg8: memref<!tpu.dma_semaphore, #tpu.memory_space<semaphore_mem>>) attributes {dimension_semantics = [#tpu.dimension_semantics<core_parallel>, #tpu.dimension_semantics<subcore_parallel>], iteration_bounds = array<i64: 2, 16>, scalar_prefetch = 0 : i64, scratch_operands = 3 : i64, tpu.core_type = #tpu.core_type<sc_vector_subcore>, window_params = [{transform_indices = #map}, {transform_indices = #map1}, {transform_indices = #map1}, {transform_indices = #map}]} {
    %mul3A = arith.constant 2 : i32
    %mul3A_0 = arith.muli %arg1, %mul3A : i32
    %add3A = arith.addi %mul3A_0, %arg0 : i32
    %jit3A = arith.constant 16 : i32
    %div3A = arith.divsi %add3A, %jit3A : i32
    %sign3A = arith.constant 0 : i32
    %sign3A_1 = arith.cmpi sgt, %add3A, %sign3A : i32
    %sign3A_2 = arith.extui %sign3A_1 : i1 to i32
    %sign3A_3 = arith.constant 0 : i32
    %sign3A_4 = arith.cmpi slt, %add3A, %sign3A_3 : i32
    %sign3A_5 = arith.extui %sign3A_4 : i1 to i32
    %sign3A_6 = arith.subi %sign3A_2, %sign3A_5 : i32
    %sign3A_7 = arith.constant 0 : i32
    %sign3A_8 = arith.cmpi sgt, %jit3A, %sign3A_7 : i32
    %sign3A_9 = arith.extui %sign3A_8 : i1 to i32
    %sign3A_10 = arith.constant 0 : i32
    %sign3A_11 = arith.cmpi slt, %jit3A, %sign3A_10 : i32
    %sign3A_12 = arith.extui %sign3A_11 : i1 to i32
    %sign3A_13 = arith.subi %sign3A_9, %sign3A_12 : i32
    %ne3A = arith.cmpi ne, %sign3A_6, %sign3A_13 : i32
    %rem3A = arith.remsi %add3A, %jit3A : i32
    %ne3A_14 = arith.constant 0 : i32
    %ne3A_15 = arith.cmpi ne, %rem3A, %ne3A_14 : i32
    %and3A = arith.andi %ne3A, %ne3A_15 : i1
    %sub3A = arith.constant 1 : i32
    %sub3A_16 = arith.subi %div3A, %sub3A : i32
    %select_n3A = arith.select %and3A, %sub3A_16, %div3A : i32
    %jit3A_17 = arith.constant 16 : i32
    %eq3A = arith.constant 0 : i32
    %eq3A_18 = arith.cmpi eq, %jit3A_17, %eq3A : i32
    %jit3A_19 = arith.constant 1 : i32
    %select_n3A_20 = arith.select %eq3A_18, %jit3A_19, %jit3A_17 : i32
    %rem3A_21 = arith.remsi %add3A, %select_n3A_20 : i32
    %ne3A_22 = arith.constant 0 : i32
    %ne3A_23 = arith.cmpi ne, %rem3A_21, %ne3A_22 : i32
    %lt3A = arith.constant 0 : i32
    %lt3A_24 = arith.cmpi slt, %rem3A_21, %lt3A : i32
    %lt3A_25 = arith.constant 0 : i32
    %lt3A_26 = arith.cmpi slt, %select_n3A_20, %lt3A_25 : i32
    %ne3A_27 = arith.xori %lt3A_24, %lt3A_26 : i1
    %and3A_28 = arith.andi %ne3A_27, %ne3A_23 : i1
    %add3A_29 = arith.addi %rem3A_21, %select_n3A_20 : i32
    %select_n3A_30 = arith.select %and3A_28, %add3A_29, %rem3A_21 : i32
    %mul3A_31 = arith.constant 128 : i32
    %mul3A_32 = arith.muli %select_n3A_30, %mul3A_31 : i32
    %add3A_33 = arith.constant 0 : i32
    %add3A_34 = arith.addi %mul3A_32, %add3A_33 : i32
    "tpu.region"() ({
      %run_scoped3A = tpu.sem_alloc : memref<!tpu.dma_semaphore, #tpu.memory_space<semaphore_mem>>
      %dma_start3A_101 = arith.constant 0 : i32
      %dma_start3A_102 = tpu.memref_slice %arg2[%add3A_34, %dma_start3A_101] : memref<2048x1024xf32, #tpu.memory_space<hbm>> -> memref<32x1024xf32, #tpu.memory_space<hbm>>
      %dma_start3A_103 = arith.constant 0 : i32
      %dma_start3A_104 = tpu.memref_slice %arg2[%add3A_34, %dma_start3A_103] : memref<2048x1024xf32, #tpu.memory_space<hbm>> -> memref<32x1024xf32, #tpu.memory_space<hbm>>
      tpu.enqueue_dma source(%dma_start3A_104 : memref<32x1024xf32, #tpu.memory_space<hbm>>) target(%arg7 : memref<32x1024xf32, #tpu.memory_space<vmem>>) target_semaphore(%run_scoped3A : memref<!tpu.dma_semaphore, #tpu.memory_space<semaphore_mem>>)
      %dma_wait3A_105 = arith.constant 0 : i32
      %dma_wait3A_106 = tpu.memref_slice %arg2[%add3A_34, %dma_wait3A_105] : memref<2048x1024xf32, #tpu.memory_space<hbm>> -> memref<32x1024xf32, #tpu.memory_space<hbm>>
      %dma_wait3A_107 = arith.constant 0 : i32
      %dma_wait3A_108 = tpu.memref_slice %arg2[%add3A_34, %dma_wait3A_107] : memref<2048x1024xf32, #tpu.memory_space<hbm>> -> memref<32x1024xf32, #tpu.memory_space<hbm>>
      tpu.wait_dma2 semaphore(%run_scoped3A : memref<!tpu.dma_semaphore, #tpu.memory_space<semaphore_mem>>) src(%dma_wait3A_108 : memref<32x1024xf32, #tpu.memory_space<hbm>>) dst(%arg7 : memref<32x1024xf32, #tpu.memory_space<vmem>>)
      tpu.yield
    }) : () -> ()
    %eq3A_35 = arith.constant 0 : i32
    %eq3A_36 = arith.cmpi eq, %select_n3A, %eq3A_35 : i32
    %convert_element_type3A = arith.extui %eq3A_36 : i1 to i32
    %cond3A = arith.constant 0 : i32
    %cond3A_37 = arith.cmpi ne, %convert_element_type3A, %cond3A : i32
    scf.if %cond3A_37 {
      "tpu.region"() ({
        %run_scoped3A = tpu.sem_alloc : memref<!tpu.dma_semaphore, #tpu.memory_space<semaphore_mem>>
        %dma_start3A_101 = tpu.memref_slice %arg3[%add3A_34] : memref<2048xi32, #tpu.memory_space<hbm>> -> memref<32xi32, #tpu.memory_space<hbm>>
        %dma_start3A_102 = tpu.memref_slice %arg3[%add3A_34] : memref<2048xi32, #tpu.memory_space<hbm>> -> memref<32xi32, #tpu.memory_space<hbm>>
        tpu.enqueue_dma source(%dma_start3A_102 : memref<32xi32, #tpu.memory_space<hbm>>) target(%arg6 : memref<32xi32, #tpu.memory_space<vmem>>) target_semaphore(%run_scoped3A : memref<!tpu.dma_semaphore, #tpu.memory_space<semaphore_mem>>)
        %dma_wait3A_103 = tpu.memref_slice %arg3[%add3A_34] : memref<2048xi32, #tpu.memory_space<hbm>> -> memref<32xi32, #tpu.memory_space<hbm>>
        %dma_wait3A_104 = tpu.memref_slice %arg3[%add3A_34] : memref<2048xi32, #tpu.memory_space<hbm>> -> memref<32xi32, #tpu.memory_space<hbm>>
        tpu.wait_dma2 semaphore(%run_scoped3A : memref<!tpu.dma_semaphore, #tpu.memory_space<semaphore_mem>>) src(%dma_wait3A_104 : memref<32xi32, #tpu.memory_space<hbm>>) dst(%arg6 : memref<32xi32, #tpu.memory_space<vmem>>)
        tpu.yield
      }) : () -> ()
    } else {
    }
    %eq3A_38 = arith.constant 1 : i32
    %eq3A_39 = arith.cmpi eq, %select_n3A, %eq3A_38 : i32
    %convert_element_type3A_40 = arith.extui %eq3A_39 : i1 to i32
    %cond3A_41 = arith.constant 0 : i32
    %cond3A_42 = arith.cmpi ne, %convert_element_type3A_40, %cond3A_41 : i32
    scf.if %cond3A_42 {
      "tpu.region"() ({
        %run_scoped3A = tpu.sem_alloc : memref<!tpu.dma_semaphore, #tpu.memory_space<semaphore_mem>>
        %dma_start3A_101 = tpu.memref_slice %arg4[%add3A_34] : memref<2048xi32, #tpu.memory_space<hbm>> -> memref<32xi32, #tpu.memory_space<hbm>>
        %dma_start3A_102 = tpu.memref_slice %arg4[%add3A_34] : memref<2048xi32, #tpu.memory_space<hbm>> -> memref<32xi32, #tpu.memory_space<hbm>>
        tpu.enqueue_dma source(%dma_start3A_102 : memref<32xi32, #tpu.memory_space<hbm>>) target(%arg6 : memref<32xi32, #tpu.memory_space<vmem>>) target_semaphore(%run_scoped3A : memref<!tpu.dma_semaphore, #tpu.memory_space<semaphore_mem>>)
        %dma_wait3A_103 = tpu.memref_slice %arg4[%add3A_34] : memref<2048xi32, #tpu.memory_space<hbm>> -> memref<32xi32, #tpu.memory_space<hbm>>
        %dma_wait3A_104 = tpu.memref_slice %arg4[%add3A_34] : memref<2048xi32, #tpu.memory_space<hbm>> -> memref<32xi32, #tpu.memory_space<hbm>>
        tpu.wait_dma2 semaphore(%run_scoped3A : memref<!tpu.dma_semaphore, #tpu.memory_space<semaphore_mem>>) src(%dma_wait3A_104 : memref<32xi32, #tpu.memory_space<hbm>>) dst(%arg6 : memref<32xi32, #tpu.memory_space<vmem>>)
        tpu.yield
      }) : () -> ()
    } else {
    }
    %dma_start3A = arith.constant 0 : i32
    %dma_start3A_43 = arith.constant 0 : i32
    %dma_start3A_44 = tpu.memref_slice %arg5[%dma_start3A, %dma_start3A_43] : memref<6144x1024xf32, #tpu.memory_space<hbm>> -> memref<6144x1024xf32, #tpu.memory_space<hbm>>
    tpu.enqueue_indirect_dma source(%arg7 : memref<32x1024xf32, #tpu.memory_space<vmem>>) target(%dma_start3A_44 : memref<6144x1024xf32, #tpu.memory_space<hbm>>) offsets(%arg6 : memref<32xi32, #tpu.memory_space<vmem>>) semaphore(%arg8 : memref<!tpu.dma_semaphore, #tpu.memory_space<semaphore_mem>>)
    %dma_wait3A = arith.constant 0 : i32
    %dma_wait3A_45 = arith.constant 0 : i32
    %dma_wait3A_46 = tpu.memref_slice %arg5[%dma_wait3A, %dma_wait3A_45] : memref<6144x1024xf32, #tpu.memory_space<hbm>> -> memref<6144x1024xf32, #tpu.memory_space<hbm>>
    tpu.wait_indirect_dma semaphore(%arg8 : memref<!tpu.dma_semaphore, #tpu.memory_space<semaphore_mem>>) src(%arg7 : memref<32x1024xf32, #tpu.memory_space<vmem>>) dst(%dma_wait3A_46 : memref<6144x1024xf32, #tpu.memory_space<hbm>>)
    %add3A_47 = arith.constant 32 : i32
    %add3A_48 = arith.addi %mul3A_32, %add3A_47 : i32
    "tpu.region"() ({
      %run_scoped3A = tpu.sem_alloc : memref<!tpu.dma_semaphore, #tpu.memory_space<semaphore_mem>>
      %dma_start3A_101 = arith.constant 0 : i32
      %dma_start3A_102 = tpu.memref_slice %arg2[%add3A_48, %dma_start3A_101] : memref<2048x1024xf32, #tpu.memory_space<hbm>> -> memref<32x1024xf32, #tpu.memory_space<hbm>>
      %dma_start3A_103 = arith.constant 0 : i32
      %dma_start3A_104 = tpu.memref_slice %arg2[%add3A_48, %dma_start3A_103] : memref<2048x1024xf32, #tpu.memory_space<hbm>> -> memref<32x1024xf32, #tpu.memory_space<hbm>>
      tpu.enqueue_dma source(%dma_start3A_104 : memref<32x1024xf32, #tpu.memory_space<hbm>>) target(%arg7 : memref<32x1024xf32, #tpu.memory_space<vmem>>) target_semaphore(%run_scoped3A : memref<!tpu.dma_semaphore, #tpu.memory_space<semaphore_mem>>)
      %dma_wait3A_105 = arith.constant 0 : i32
      %dma_wait3A_106 = tpu.memref_slice %arg2[%add3A_48, %dma_wait3A_105] : memref<2048x1024xf32, #tpu.memory_space<hbm>> -> memref<32x1024xf32, #tpu.memory_space<hbm>>
      %dma_wait3A_107 = arith.constant 0 : i32
      %dma_wait3A_108 = tpu.memref_slice %arg2[%add3A_48, %dma_wait3A_107] : memref<2048x1024xf32, #tpu.memory_space<hbm>> -> memref<32x1024xf32, #tpu.memory_space<hbm>>
      tpu.wait_dma2 semaphore(%run_scoped3A : memref<!tpu.dma_semaphore, #tpu.memory_space<semaphore_mem>>) src(%dma_wait3A_108 : memref<32x1024xf32, #tpu.memory_space<hbm>>) dst(%arg7 : memref<32x1024xf32, #tpu.memory_space<vmem>>)
      tpu.yield
    }) : () -> ()
    %eq3A_49 = arith.constant 0 : i32
    %eq3A_50 = arith.cmpi eq, %select_n3A, %eq3A_49 : i32
    %convert_element_type3A_51 = arith.extui %eq3A_50 : i1 to i32
    %cond3A_52 = arith.constant 0 : i32
    %cond3A_53 = arith.cmpi ne, %convert_element_type3A_51, %cond3A_52 : i32
    scf.if %cond3A_53 {
      "tpu.region"() ({
        %run_scoped3A = tpu.sem_alloc : memref<!tpu.dma_semaphore, #tpu.memory_space<semaphore_mem>>
        %dma_start3A_101 = tpu.memref_slice %arg3[%add3A_48] : memref<2048xi32, #tpu.memory_space<hbm>> -> memref<32xi32, #tpu.memory_space<hbm>>
        %dma_start3A_102 = tpu.memref_slice %arg3[%add3A_48] : memref<2048xi32, #tpu.memory_space<hbm>> -> memref<32xi32, #tpu.memory_space<hbm>>
        tpu.enqueue_dma source(%dma_start3A_102 : memref<32xi32, #tpu.memory_space<hbm>>) target(%arg6 : memref<32xi32, #tpu.memory_space<vmem>>) target_semaphore(%run_scoped3A : memref<!tpu.dma_semaphore, #tpu.memory_space<semaphore_mem>>)
        %dma_wait3A_103 = tpu.memref_slice %arg3[%add3A_48] : memref<2048xi32, #tpu.memory_space<hbm>> -> memref<32xi32, #tpu.memory_space<hbm>>
        %dma_wait3A_104 = tpu.memref_slice %arg3[%add3A_48] : memref<2048xi32, #tpu.memory_space<hbm>> -> memref<32xi32, #tpu.memory_space<hbm>>
        tpu.wait_dma2 semaphore(%run_scoped3A : memref<!tpu.dma_semaphore, #tpu.memory_space<semaphore_mem>>) src(%dma_wait3A_104 : memref<32xi32, #tpu.memory_space<hbm>>) dst(%arg6 : memref<32xi32, #tpu.memory_space<vmem>>)
        tpu.yield
      }) : () -> ()
    } else {
    }
    %eq3A_54 = arith.constant 1 : i32
    %eq3A_55 = arith.cmpi eq, %select_n3A, %eq3A_54 : i32
    %convert_element_type3A_56 = arith.extui %eq3A_55 : i1 to i32
    %cond3A_57 = arith.constant 0 : i32
    %cond3A_58 = arith.cmpi ne, %convert_element_type3A_56, %cond3A_57 : i32
    scf.if %cond3A_58 {
      "tpu.region"() ({
        %run_scoped3A = tpu.sem_alloc : memref<!tpu.dma_semaphore, #tpu.memory_space<semaphore_mem>>
        %dma_start3A_101 = tpu.memref_slice %arg4[%add3A_48] : memref<2048xi32, #tpu.memory_space<hbm>> -> memref<32xi32, #tpu.memory_space<hbm>>
        %dma_start3A_102 = tpu.memref_slice %arg4[%add3A_48] : memref<2048xi32, #tpu.memory_space<hbm>> -> memref<32xi32, #tpu.memory_space<hbm>>
        tpu.enqueue_dma source(%dma_start3A_102 : memref<32xi32, #tpu.memory_space<hbm>>) target(%arg6 : memref<32xi32, #tpu.memory_space<vmem>>) target_semaphore(%run_scoped3A : memref<!tpu.dma_semaphore, #tpu.memory_space<semaphore_mem>>)
        %dma_wait3A_103 = tpu.memref_slice %arg4[%add3A_48] : memref<2048xi32, #tpu.memory_space<hbm>> -> memref<32xi32, #tpu.memory_space<hbm>>
        %dma_wait3A_104 = tpu.memref_slice %arg4[%add3A_48] : memref<2048xi32, #tpu.memory_space<hbm>> -> memref<32xi32, #tpu.memory_space<hbm>>
        tpu.wait_dma2 semaphore(%run_scoped3A : memref<!tpu.dma_semaphore, #tpu.memory_space<semaphore_mem>>) src(%dma_wait3A_104 : memref<32xi32, #tpu.memory_space<hbm>>) dst(%arg6 : memref<32xi32, #tpu.memory_space<vmem>>)
        tpu.yield
      }) : () -> ()
    } else {
    }
    %dma_start3A_59 = arith.constant 0 : i32
    %dma_start3A_60 = arith.constant 0 : i32
    %dma_start3A_61 = tpu.memref_slice %arg5[%dma_start3A_59, %dma_start3A_60] : memref<6144x1024xf32, #tpu.memory_space<hbm>> -> memref<6144x1024xf32, #tpu.memory_space<hbm>>
    tpu.enqueue_indirect_dma source(%arg7 : memref<32x1024xf32, #tpu.memory_space<vmem>>) target(%dma_start3A_61 : memref<6144x1024xf32, #tpu.memory_space<hbm>>) offsets(%arg6 : memref<32xi32, #tpu.memory_space<vmem>>) semaphore(%arg8 : memref<!tpu.dma_semaphore, #tpu.memory_space<semaphore_mem>>)
    %dma_wait3A_62 = arith.constant 0 : i32
    %dma_wait3A_63 = arith.constant 0 : i32
    %dma_wait3A_64 = tpu.memref_slice %arg5[%dma_wait3A_62, %dma_wait3A_63] : memref<6144x1024xf32, #tpu.memory_space<hbm>> -> memref<6144x1024xf32, #tpu.memory_space<hbm>>
    tpu.wait_indirect_dma semaphore(%arg8 : memref<!tpu.dma_semaphore, #tpu.memory_space<semaphore_mem>>) src(%arg7 : memref<32x1024xf32, #tpu.memory_space<vmem>>) dst(%dma_wait3A_64 : memref<6144x1024xf32, #tpu.memory_space<hbm>>)
    %add3A_65 = arith.constant 64 : i32
    %add3A_66 = arith.addi %mul3A_32, %add3A_65 : i32
    "tpu.region"() ({
      %run_scoped3A = tpu.sem_alloc : memref<!tpu.dma_semaphore, #tpu.memory_space<semaphore_mem>>
      %dma_start3A_101 = arith.constant 0 : i32
      %dma_start3A_102 = tpu.memref_slice %arg2[%add3A_66, %dma_start3A_101] : memref<2048x1024xf32, #tpu.memory_space<hbm>> -> memref<32x1024xf32, #tpu.memory_space<hbm>>
      %dma_start3A_103 = arith.constant 0 : i32
      %dma_start3A_104 = tpu.memref_slice %arg2[%add3A_66, %dma_start3A_103] : memref<2048x1024xf32, #tpu.memory_space<hbm>> -> memref<32x1024xf32, #tpu.memory_space<hbm>>
      tpu.enqueue_dma source(%dma_start3A_104 : memref<32x1024xf32, #tpu.memory_space<hbm>>) target(%arg7 : memref<32x1024xf32, #tpu.memory_space<vmem>>) target_semaphore(%run_scoped3A : memref<!tpu.dma_semaphore, #tpu.memory_space<semaphore_mem>>)
      %dma_wait3A_105 = arith.constant 0 : i32
      %dma_wait3A_106 = tpu.memref_slice %arg2[%add3A_66, %dma_wait3A_105] : memref<2048x1024xf32, #tpu.memory_space<hbm>> -> memref<32x1024xf32, #tpu.memory_space<hbm>>
      %dma_wait3A_107 = arith.constant 0 : i32
      %dma_wait3A_108 = tpu.memref_slice %arg2[%add3A_66, %dma_wait3A_107] : memref<2048x1024xf32, #tpu.memory_space<hbm>> -> memref<32x1024xf32, #tpu.memory_space<hbm>>
      tpu.wait_dma2 semaphore(%run_scoped3A : memref<!tpu.dma_semaphore, #tpu.memory_space<semaphore_mem>>) src(%dma_wait3A_108 : memref<32x1024xf32, #tpu.memory_space<hbm>>) dst(%arg7 : memref<32x1024xf32, #tpu.memory_space<vmem>>)
      tpu.yield
    }) : () -> ()
    %eq3A_67 = arith.constant 0 : i32
    %eq3A_68 = arith.cmpi eq, %select_n3A, %eq3A_67 : i32
    %convert_element_type3A_69 = arith.extui %eq3A_68 : i1 to i32
    %cond3A_70 = arith.constant 0 : i32
    %cond3A_71 = arith.cmpi ne, %convert_element_type3A_69, %cond3A_70 : i32
    scf.if %cond3A_71 {
      "tpu.region"() ({
        %run_scoped3A = tpu.sem_alloc : memref<!tpu.dma_semaphore, #tpu.memory_space<semaphore_mem>>
        %dma_start3A_101 = tpu.memref_slice %arg3[%add3A_66] : memref<2048xi32, #tpu.memory_space<hbm>> -> memref<32xi32, #tpu.memory_space<hbm>>
        %dma_start3A_102 = tpu.memref_slice %arg3[%add3A_66] : memref<2048xi32, #tpu.memory_space<hbm>> -> memref<32xi32, #tpu.memory_space<hbm>>
        tpu.enqueue_dma source(%dma_start3A_102 : memref<32xi32, #tpu.memory_space<hbm>>) target(%arg6 : memref<32xi32, #tpu.memory_space<vmem>>) target_semaphore(%run_scoped3A : memref<!tpu.dma_semaphore, #tpu.memory_space<semaphore_mem>>)
        %dma_wait3A_103 = tpu.memref_slice %arg3[%add3A_66] : memref<2048xi32, #tpu.memory_space<hbm>> -> memref<32xi32, #tpu.memory_space<hbm>>
        %dma_wait3A_104 = tpu.memref_slice %arg3[%add3A_66] : memref<2048xi32, #tpu.memory_space<hbm>> -> memref<32xi32, #tpu.memory_space<hbm>>
        tpu.wait_dma2 semaphore(%run_scoped3A : memref<!tpu.dma_semaphore, #tpu.memory_space<semaphore_mem>>) src(%dma_wait3A_104 : memref<32xi32, #tpu.memory_space<hbm>>) dst(%arg6 : memref<32xi32, #tpu.memory_space<vmem>>)
        tpu.yield
      }) : () -> ()
    } else {
    }
    %eq3A_72 = arith.constant 1 : i32
    %eq3A_73 = arith.cmpi eq, %select_n3A, %eq3A_72 : i32
    %convert_element_type3A_74 = arith.extui %eq3A_73 : i1 to i32
    %cond3A_75 = arith.constant 0 : i32
    %cond3A_76 = arith.cmpi ne, %convert_element_type3A_74, %cond3A_75 : i32
    scf.if %cond3A_76 {
      "tpu.region"() ({
        %run_scoped3A = tpu.sem_alloc : memref<!tpu.dma_semaphore, #tpu.memory_space<semaphore_mem>>
        %dma_start3A_101 = tpu.memref_slice %arg4[%add3A_66] : memref<2048xi32, #tpu.memory_space<hbm>> -> memref<32xi32, #tpu.memory_space<hbm>>
        %dma_start3A_102 = tpu.memref_slice %arg4[%add3A_66] : memref<2048xi32, #tpu.memory_space<hbm>> -> memref<32xi32, #tpu.memory_space<hbm>>
        tpu.enqueue_dma source(%dma_start3A_102 : memref<32xi32, #tpu.memory_space<hbm>>) target(%arg6 : memref<32xi32, #tpu.memory_space<vmem>>) target_semaphore(%run_scoped3A : memref<!tpu.dma_semaphore, #tpu.memory_space<semaphore_mem>>)
        %dma_wait3A_103 = tpu.memref_slice %arg4[%add3A_66] : memref<2048xi32, #tpu.memory_space<hbm>> -> memref<32xi32, #tpu.memory_space<hbm>>
        %dma_wait3A_104 = tpu.memref_slice %arg4[%add3A_66] : memref<2048xi32, #tpu.memory_space<hbm>> -> memref<32xi32, #tpu.memory_space<hbm>>
        tpu.wait_dma2 semaphore(%run_scoped3A : memref<!tpu.dma_semaphore, #tpu.memory_space<semaphore_mem>>) src(%dma_wait3A_104 : memref<32xi32, #tpu.memory_space<hbm>>) dst(%arg6 : memref<32xi32, #tpu.memory_space<vmem>>)
        tpu.yield
      }) : () -> ()
    } else {
    }
    %dma_start3A_77 = arith.constant 0 : i32
    %dma_start3A_78 = arith.constant 0 : i32
    %dma_start3A_79 = tpu.memref_slice %arg5[%dma_start3A_77, %dma_start3A_78] : memref<6144x1024xf32, #tpu.memory_space<hbm>> -> memref<6144x1024xf32, #tpu.memory_space<hbm>>
    tpu.enqueue_indirect_dma source(%arg7 : memref<32x1024xf32, #tpu.memory_space<vmem>>) target(%dma_start3A_79 : memref<6144x1024xf32, #tpu.memory_space<hbm>>) offsets(%arg6 : memref<32xi32, #tpu.memory_space<vmem>>) semaphore(%arg8 : memref<!tpu.dma_semaphore, #tpu.memory_space<semaphore_mem>>)
    %dma_wait3A_80 = arith.constant 0 : i32
    %dma_wait3A_81 = arith.constant 0 : i32
    %dma_wait3A_82 = tpu.memref_slice %arg5[%dma_wait3A_80, %dma_wait3A_81] : memref<6144x1024xf32, #tpu.memory_space<hbm>> -> memref<6144x1024xf32, #tpu.memory_space<hbm>>
    tpu.wait_indirect_dma semaphore(%arg8 : memref<!tpu.dma_semaphore, #tpu.memory_space<semaphore_mem>>) src(%arg7 : memref<32x1024xf32, #tpu.memory_space<vmem>>) dst(%dma_wait3A_82 : memref<6144x1024xf32, #tpu.memory_space<hbm>>)
    %add3A_83 = arith.constant 96 : i32
    %add3A_84 = arith.addi %mul3A_32, %add3A_83 : i32
    "tpu.region"() ({
      %run_scoped3A = tpu.sem_alloc : memref<!tpu.dma_semaphore, #tpu.memory_space<semaphore_mem>>
      %dma_start3A_101 = arith.constant 0 : i32
      %dma_start3A_102 = tpu.memref_slice %arg2[%add3A_84, %dma_start3A_101] : memref<2048x1024xf32, #tpu.memory_space<hbm>> -> memref<32x1024xf32, #tpu.memory_space<hbm>>
      %dma_start3A_103 = arith.constant 0 : i32
      %dma_start3A_104 = tpu.memref_slice %arg2[%add3A_84, %dma_start3A_103] : memref<2048x1024xf32, #tpu.memory_space<hbm>> -> memref<32x1024xf32, #tpu.memory_space<hbm>>
      tpu.enqueue_dma source(%dma_start3A_104 : memref<32x1024xf32, #tpu.memory_space<hbm>>) target(%arg7 : memref<32x1024xf32, #tpu.memory_space<vmem>>) target_semaphore(%run_scoped3A : memref<!tpu.dma_semaphore, #tpu.memory_space<semaphore_mem>>)
      %dma_wait3A_105 = arith.constant 0 : i32
      %dma_wait3A_106 = tpu.memref_slice %arg2[%add3A_84, %dma_wait3A_105] : memref<2048x1024xf32, #tpu.memory_space<hbm>> -> memref<32x1024xf32, #tpu.memory_space<hbm>>
      %dma_wait3A_107 = arith.constant 0 : i32
      %dma_wait3A_108 = tpu.memref_slice %arg2[%add3A_84, %dma_wait3A_107] : memref<2048x1024xf32, #tpu.memory_space<hbm>> -> memref<32x1024xf32, #tpu.memory_space<hbm>>
      tpu.wait_dma2 semaphore(%run_scoped3A : memref<!tpu.dma_semaphore, #tpu.memory_space<semaphore_mem>>) src(%dma_wait3A_108 : memref<32x1024xf32, #tpu.memory_space<hbm>>) dst(%arg7 : memref<32x1024xf32, #tpu.memory_space<vmem>>)
      tpu.yield
    }) : () -> ()
    %eq3A_85 = arith.constant 0 : i32
    %eq3A_86 = arith.cmpi eq, %select_n3A, %eq3A_85 : i32
    %convert_element_type3A_87 = arith.extui %eq3A_86 : i1 to i32
    %cond3A_88 = arith.constant 0 : i32
    %cond3A_89 = arith.cmpi ne, %convert_element_type3A_87, %cond3A_88 : i32
    scf.if %cond3A_89 {
      "tpu.region"() ({
        %run_scoped3A = tpu.sem_alloc : memref<!tpu.dma_semaphore, #tpu.memory_space<semaphore_mem>>
        %dma_start3A_101 = tpu.memref_slice %arg3[%add3A_84] : memref<2048xi32, #tpu.memory_space<hbm>> -> memref<32xi32, #tpu.memory_space<hbm>>
        %dma_start3A_102 = tpu.memref_slice %arg3[%add3A_84] : memref<2048xi32, #tpu.memory_space<hbm>> -> memref<32xi32, #tpu.memory_space<hbm>>
        tpu.enqueue_dma source(%dma_start3A_102 : memref<32xi32, #tpu.memory_space<hbm>>) target(%arg6 : memref<32xi32, #tpu.memory_space<vmem>>) target_semaphore(%run_scoped3A : memref<!tpu.dma_semaphore, #tpu.memory_space<semaphore_mem>>)
        %dma_wait3A_103 = tpu.memref_slice %arg3[%add3A_84] : memref<2048xi32, #tpu.memory_space<hbm>> -> memref<32xi32, #tpu.memory_space<hbm>>
        %dma_wait3A_104 = tpu.memref_slice %arg3[%add3A_84] : memref<2048xi32, #tpu.memory_space<hbm>> -> memref<32xi32, #tpu.memory_space<hbm>>
        tpu.wait_dma2 semaphore(%run_scoped3A : memref<!tpu.dma_semaphore, #tpu.memory_space<semaphore_mem>>) src(%dma_wait3A_104 : memref<32xi32, #tpu.memory_space<hbm>>) dst(%arg6 : memref<32xi32, #tpu.memory_space<vmem>>)
        tpu.yield
      }) : () -> ()
    } else {
    }
    %eq3A_90 = arith.constant 1 : i32
    %eq3A_91 = arith.cmpi eq, %select_n3A, %eq3A_90 : i32
    %convert_element_type3A_92 = arith.extui %eq3A_91 : i1 to i32
    %cond3A_93 = arith.constant 0 : i32
    %cond3A_94 = arith.cmpi ne, %convert_element_type3A_92, %cond3A_93 : i32
    scf.if %cond3A_94 {
      "tpu.region"() ({
        %run_scoped3A = tpu.sem_alloc : memref<!tpu.dma_semaphore, #tpu.memory_space<semaphore_mem>>
        %dma_start3A_101 = tpu.memref_slice %arg4[%add3A_84] : memref<2048xi32, #tpu.memory_space<hbm>> -> memref<32xi32, #tpu.memory_space<hbm>>
        %dma_start3A_102 = tpu.memref_slice %arg4[%add3A_84] : memref<2048xi32, #tpu.memory_space<hbm>> -> memref<32xi32, #tpu.memory_space<hbm>>
        tpu.enqueue_dma source(%dma_start3A_102 : memref<32xi32, #tpu.memory_space<hbm>>) target(%arg6 : memref<32xi32, #tpu.memory_space<vmem>>) target_semaphore(%run_scoped3A : memref<!tpu.dma_semaphore, #tpu.memory_space<semaphore_mem>>)
        %dma_wait3A_103 = tpu.memref_slice %arg4[%add3A_84] : memref<2048xi32, #tpu.memory_space<hbm>> -> memref<32xi32, #tpu.memory_space<hbm>>
        %dma_wait3A_104 = tpu.memref_slice %arg4[%add3A_84] : memref<2048xi32, #tpu.memory_space<hbm>> -> memref<32xi32, #tpu.memory_space<hbm>>
        tpu.wait_dma2 semaphore(%run_scoped3A : memref<!tpu.dma_semaphore, #tpu.memory_space<semaphore_mem>>) src(%dma_wait3A_104 : memref<32xi32, #tpu.memory_space<hbm>>) dst(%arg6 : memref<32xi32, #tpu.memory_space<vmem>>)
        tpu.yield
      }) : () -> ()
    } else {
    }
    %dma_start3A_95 = arith.constant 0 : i32
    %dma_start3A_96 = arith.constant 0 : i32
    %dma_start3A_97 = tpu.memref_slice %arg5[%dma_start3A_95, %dma_start3A_96] : memref<6144x1024xf32, #tpu.memory_space<hbm>> -> memref<6144x1024xf32, #tpu.memory_space<hbm>>
    tpu.enqueue_indirect_dma source(%arg7 : memref<32x1024xf32, #tpu.memory_space<vmem>>) target(%dma_start3A_97 : memref<6144x1024xf32, #tpu.memory_space<hbm>>) offsets(%arg6 : memref<32xi32, #tpu.memory_space<vmem>>) semaphore(%arg8 : memref<!tpu.dma_semaphore, #tpu.memory_space<semaphore_mem>>)
    %dma_wait3A_98 = arith.constant 0 : i32
    %dma_wait3A_99 = arith.constant 0 : i32
    %dma_wait3A_100 = tpu.memref_slice %arg5[%dma_wait3A_98, %dma_wait3A_99] : memref<6144x1024xf32, #tpu.memory_space<hbm>> -> memref<6144x1024xf32, #tpu.memory_space<hbm>>
    tpu.wait_indirect_dma semaphore(%arg8 : memref<!tpu.dma_semaphore, #tpu.memory_space<semaphore_mem>>) src(%arg7 : memref<32x1024xf32, #tpu.memory_space<vmem>>) dst(%dma_wait3A_100 : memref<6144x1024xf32, #tpu.memory_space<hbm>>)
    return
  }
}

module attributes {stable_mosaic.version = 14 : i64} {
  func.func @_gemm_body(%arg0: i32, %arg1: memref<24xi32, #tpu.memory_space<smem>>, %arg2: memref<256x1024xf32, #tpu.memory_space<vmem>>, %arg3: memref<1x1024x512xf32, #tpu.memory_space<vmem>>, %arg4: memref<1x1024x512xf32, #tpu.memory_space<vmem>>, %arg5: memref<1x512x1024xf32, #tpu.memory_space<vmem>>, %arg6: memref<256x1024xf32, #tpu.memory_space<vmem>>) attributes {dimension_semantics = [#tpu.dimension_semantics<arbitrary>], iteration_bounds = array<i64: 24>, scalar_prefetch = 1 : i64, scratch_operands = 0 : i64, tpu.core_type = #tpu.core_type<tc>, window_params = [{transform_indices = @transform_0, window_bounds = array<i64: 256, 1024>}, {transform_indices = @transform_1, window_bounds = array<i64: 1, 1024, 512>}, {transform_indices = @transform_2, window_bounds = array<i64: 1, 1024, 512>}, {transform_indices = @transform_3, window_bounds = array<i64: 1, 512, 1024>}, {transform_indices = @transform_4, window_bounds = array<i64: 256, 1024>}]} {
    %get3A = arith.constant 0 : index
    %get3A_0 = arith.constant 0 : index
    %get3A_1 = vector.load %arg2[%get3A, %get3A_0] : memref<256x1024xf32, #tpu.memory_space<vmem>>, vector<256x1024xf32>
    %convert_element_type3A = arith.truncf %get3A_1 : vector<256x1024xf32> to vector<256x1024xbf16>
    %get3A_2 = arith.constant 0 : index
    %get3A_3 = arith.constant 0 : index
    %get3A_4 = arith.constant 0 : index
    %get3A_5 = vector.load %arg3[%get3A_2, %get3A_3, %get3A_4] : memref<1x1024x512xf32, #tpu.memory_space<vmem>>, vector<1x1024x512xf32>
    %get3A_6 = vector.shape_cast %get3A_5 : vector<1x1024x512xf32> to vector<1024x512xf32>
    %convert_element_type3A_7 = arith.truncf %get3A_6 : vector<1024x512xf32> to vector<1024x512xbf16>
    %get3A_8 = arith.constant 0 : index
    %get3A_9 = arith.constant 0 : index
    %get3A_10 = arith.constant 0 : index
    %get3A_11 = vector.load %arg4[%get3A_8, %get3A_9, %get3A_10] : memref<1x1024x512xf32, #tpu.memory_space<vmem>>, vector<1x1024x512xf32>
    %get3A_12 = vector.shape_cast %get3A_11 : vector<1x1024x512xf32> to vector<1024x512xf32>
    %convert_element_type3A_13 = arith.truncf %get3A_12 : vector<1024x512xf32> to vector<1024x512xbf16>
    %get3A_14 = arith.constant 0 : index
    %get3A_15 = arith.constant 0 : index
    %get3A_16 = arith.constant 0 : index
    %get3A_17 = vector.load %arg5[%get3A_14, %get3A_15, %get3A_16] : memref<1x512x1024xf32, #tpu.memory_space<vmem>>, vector<1x512x1024xf32>
    %get3A_18 = vector.shape_cast %get3A_17 : vector<1x512x1024xf32> to vector<512x1024xf32>
    %convert_element_type3A_19 = arith.truncf %get3A_18 : vector<512x1024xf32> to vector<512x1024xbf16>
    %dot_general3A = arith.constant dense<0.000000e+00> : vector<256x512xf32>
    %dot_general3A_20 = tpu.matmul %convert_element_type3A, %convert_element_type3A_7, %dot_general3A {dimension_numbers = #tpu.dot_dimension_numbers<[1], [0], [0], [1], [0, 0, 1, 1], [], []>, transpose_lhs_hint = false} : vector<256x1024xbf16>, vector<1024x512xbf16>, vector<256x512xf32> -> vector<256x512xf32>
    %dot_general3A_21 = arith.constant dense<0.000000e+00> : vector<256x512xf32>
    %dot_general3A_22 = tpu.matmul %convert_element_type3A, %convert_element_type3A_13, %dot_general3A_21 {dimension_numbers = #tpu.dot_dimension_numbers<[1], [0], [0], [1], [0, 0, 1, 1], [], []>, transpose_lhs_hint = false} : vector<256x1024xbf16>, vector<1024x512xbf16>, vector<256x512xf32> -> vector<256x512xf32>
    %neg3A = arith.constant 0.000000e+00 : f32
    %neg3A_23 = vector.broadcast %neg3A : f32 to vector<256x512xf32>
    %neg3A_24 = arith.subf %neg3A_23, %dot_general3A_20 : vector<256x512xf32>
    %exp3A = math.exp %neg3A_24 : vector<256x512xf32>
    %add3A = arith.constant 1.000000e+00 : f32
    %add3A_25 = vector.broadcast %add3A : f32 to vector<256x512xf32>
    %add3A_26 = arith.addf %add3A_25, %exp3A : vector<256x512xf32>
    %div3A = arith.divf %dot_general3A_20, %add3A_26 : vector<256x512xf32>
    %mul3A = arith.mulf %div3A, %dot_general3A_22 : vector<256x512xf32>
    %convert_element_type3A_27 = arith.truncf %mul3A : vector<256x512xf32> to vector<256x512xbf16>
    %dot_general3A_28 = arith.constant dense<0.000000e+00> : vector<256x1024xf32>
    %dot_general3A_29 = tpu.matmul %convert_element_type3A_27, %convert_element_type3A_19, %dot_general3A_28 {dimension_numbers = #tpu.dot_dimension_numbers<[1], [0], [0], [1], [0, 0, 1, 1], [], []>, transpose_lhs_hint = false} : vector<256x512xbf16>, vector<512x1024xbf16>, vector<256x1024xf32> -> vector<256x1024xf32>
    %swap3A = arith.constant 0 : index
    %swap3A_30 = arith.constant 0 : index
    %swap3A_31 = vector.load %arg6[%swap3A, %swap3A_30] : memref<256x1024xf32, #tpu.memory_space<vmem>>, vector<256x1024xf32>
    tpu.vector_store %arg6[%swap3A, %swap3A_30], %dot_general3A_29 {strides = array<i32>} : memref<256x1024xf32, #tpu.memory_space<vmem>>, vector<256x1024xf32>,
    return
  }
  func.func @transform_0(%arg0: i32, %arg1: memref<24xi32, #tpu.memory_space<smem>>) -> (i32, i32) {
    %c0_i32 = arith.constant 0 : i32
    %c0_i32_0 = arith.constant 0 : i32
    return %arg0, %c0_i32 : i32, i32
  }
  func.func @transform_1(%arg0: i32, %arg1: memref<24xi32, #tpu.memory_space<smem>>) -> (i32, i32, i32) {
    %get3A = arith.index_cast %arg0 : i32 to index
    %get3A_0 = memref.load %arg1[%get3A] : memref<24xi32, #tpu.memory_space<smem>>
    %c0_i32 = arith.constant 0 : i32
    %c0_i32_1 = arith.constant 0 : i32
    %c0_i32_2 = arith.constant 0 : i32
    return %get3A_0, %c0_i32, %c0_i32_1 : i32, i32, i32
  }
  func.func @transform_2(%arg0: i32, %arg1: memref<24xi32, #tpu.memory_space<smem>>) -> (i32, i32, i32) {
    %get3A = arith.index_cast %arg0 : i32 to index
    %get3A_0 = memref.load %arg1[%get3A] : memref<24xi32, #tpu.memory_space<smem>>
    %c0_i32 = arith.constant 0 : i32
    %c0_i32_1 = arith.constant 0 : i32
    %c0_i32_2 = arith.constant 0 : i32
    return %get3A_0, %c0_i32, %c0_i32_1 : i32, i32, i32
  }
  func.func @transform_3(%arg0: i32, %arg1: memref<24xi32, #tpu.memory_space<smem>>) -> (i32, i32, i32) {
    %get3A = arith.index_cast %arg0 : i32 to index
    %get3A_0 = memref.load %arg1[%get3A] : memref<24xi32, #tpu.memory_space<smem>>
    %c0_i32 = arith.constant 0 : i32
    %c0_i32_1 = arith.constant 0 : i32
    %c0_i32_2 = arith.constant 0 : i32
    return %get3A_0, %c0_i32, %c0_i32_1 : i32, i32, i32
  }
  func.func @transform_4(%arg0: i32, %arg1: memref<24xi32, #tpu.memory_space<smem>>) -> (i32, i32) {
    %c0_i32 = arith.constant 0 : i32
    %c0_i32_0 = arith.constant 0 : i32
    return %arg0, %c0_i32 : i32, i32
  }
}

module attributes {stable_mosaic.version = 14 : i64} {
  func.func @_router_body(%arg0: memref<2048x8xf32, #tpu.memory_space<vmem>>, %arg1: memref<1x8xf32, #tpu.memory_space<vmem>>, %arg2: memref<2048x1xi32, #tpu.memory_space<vmem>>, %arg3: memref<2048x1xi32, #tpu.memory_space<vmem>>, %arg4: memref<2048x2xf32, #tpu.memory_space<vmem>>, %arg5: memref<24x1xi32, #tpu.memory_space<vmem>>) attributes {dimension_semantics = [], scalar_prefetch = 0 : i64, scratch_operands = 0 : i64, tpu.core_type = #tpu.core_type<tc>} {
    %get3A = arith.constant 0 : index
    %get3A_0 = arith.constant 0 : index
    %get3A_1 = vector.load %arg0[%get3A, %get3A_0] : memref<2048x8xf32, #tpu.memory_space<vmem>>, vector<2048x8xf32>
    %neg3A = arith.constant 0.000000e+00 : f32
    %neg3A_2 = vector.broadcast %neg3A : f32 to vector<2048x8xf32>
    %neg3A_3 = arith.subf %neg3A_2, %get3A_1 : vector<2048x8xf32>
    %exp3A = math.exp %neg3A_3 : vector<2048x8xf32>
    %add3A = arith.constant 1.000000e+00 : f32
    %add3A_4 = vector.broadcast %add3A : f32 to vector<2048x8xf32>
    %add3A_5 = arith.addf %add3A_4, %exp3A : vector<2048x8xf32>
    %div3A = arith.constant 1.000000e+00 : f32
    %div3A_6 = vector.broadcast %div3A : f32 to vector<2048x8xf32>
    %div3A_7 = arith.divf %div3A_6, %add3A_5 : vector<2048x8xf32>
    %get3A_8 = arith.constant 0 : index
    %get3A_9 = arith.constant 0 : index
    %get3A_10 = vector.load %arg1[%get3A_8, %get3A_9] : memref<1x8xf32, #tpu.memory_space<vmem>>, vector<1x8xf32>
    %add3A_11 = vector.broadcast %get3A_10 : vector<1x8xf32> to vector<2048x8xf32>
    %add3A_12 = arith.addf %div3A_7, %add3A_11 : vector<2048x8xf32>
    %iota3A = tpu.iota {dimensions = array<i32: 0>} : vector<8x4xi32>
    %iota3A_13 = tpu.iota {dimensions = array<i32: 1>} : vector<8x4xi32>
    %jit3A = arith.constant 2 : i32
    %div3A_14 = vector.broadcast %jit3A : i32 to vector<8x4xi32>
    %div3A_15 = arith.divsi %iota3A, %div3A_14 : vector<8x4xi32>
    %sign3A = arith.constant 0 : i32
    %sign3A_16 = vector.broadcast %sign3A : i32 to vector<8x4xi32>
    %sign3A_17 = arith.cmpi sgt, %iota3A, %sign3A_16 : vector<8x4xi32>
    %sign3A_18 = arith.extui %sign3A_17 : vector<8x4xi1> to vector<8x4xi32>
    %sign3A_19 = arith.constant 0 : i32
    %sign3A_20 = vector.broadcast %sign3A_19 : i32 to vector<8x4xi32>
    %sign3A_21 = arith.cmpi slt, %iota3A, %sign3A_20 : vector<8x4xi32>
    %sign3A_22 = arith.extui %sign3A_21 : vector<8x4xi1> to vector<8x4xi32>
    %sign3A_23 = arith.subi %sign3A_18, %sign3A_22 : vector<8x4xi32>
    %sign3A_24 = arith.constant 0 : i32
    %sign3A_25 = arith.cmpi sgt, %jit3A, %sign3A_24 : i32
    %sign3A_26 = arith.extui %sign3A_25 : i1 to i32
    %sign3A_27 = arith.constant 0 : i32
    %sign3A_28 = arith.cmpi slt, %jit3A, %sign3A_27 : i32
    %sign3A_29 = arith.extui %sign3A_28 : i1 to i32
    %sign3A_30 = arith.subi %sign3A_26, %sign3A_29 : i32
    %ne3A = vector.broadcast %sign3A_30 : i32 to vector<8x4xi32>
    %ne3A_31 = arith.cmpi ne, %sign3A_23, %ne3A : vector<8x4xi32>
    %rem3A = vector.broadcast %jit3A : i32 to vector<8x4xi32>
    %rem3A_32 = arith.remsi %iota3A, %rem3A : vector<8x4xi32>
    %ne3A_33 = arith.constant 0 : i32
    %ne3A_34 = vector.broadcast %ne3A_33 : i32 to vector<8x4xi32>
    %ne3A_35 = arith.cmpi ne, %rem3A_32, %ne3A_34 : vector<8x4xi32>
    %and3A = arith.andi %ne3A_31, %ne3A_35 : vector<8x4xi1>
    %sub3A = arith.constant 1 : i32
    %sub3A_36 = vector.broadcast %sub3A : i32 to vector<8x4xi32>
    %sub3A_37 = arith.subi %div3A_15, %sub3A_36 : vector<8x4xi32>
    %select_n3A = arith.select %and3A, %sub3A_37, %div3A_15 : vector<8x4xi1>, vector<8x4xi32>
    %eq3A = arith.cmpi eq, %select_n3A, %iota3A_13 : vector<8x4xi32>
    %convert_element_type3A = arith.extui %eq3A : vector<8x4xi1> to vector<8x4xi32>
    %convert_element_type3A_38 = arith.sitofp %convert_element_type3A : vector<8x4xi32> to vector<8x4xf32>
    %iota3A_39 = tpu.iota {dimensions = array<i32: 0>} : vector<4x8xi32>
    %iota3A_40 = tpu.iota {dimensions = array<i32: 1>} : vector<4x8xi32>
    %jit3A_41 = arith.constant 2 : i32
    %div3A_42 = vector.broadcast %jit3A_41 : i32 to vector<4x8xi32>
    %div3A_43 = arith.divsi %iota3A_40, %div3A_42 : vector<4x8xi32>
    %sign3A_44 = arith.constant 0 : i32
    %sign3A_45 = vector.broadcast %sign3A_44 : i32 to vector<4x8xi32>
    %sign3A_46 = arith.cmpi sgt, %iota3A_40, %sign3A_45 : vector<4x8xi32>
    %sign3A_47 = arith.extui %sign3A_46 : vector<4x8xi1> to vector<4x8xi32>
    %sign3A_48 = arith.constant 0 : i32
    %sign3A_49 = vector.broadcast %sign3A_48 : i32 to vector<4x8xi32>
    %sign3A_50 = arith.cmpi slt, %iota3A_40, %sign3A_49 : vector<4x8xi32>
    %sign3A_51 = arith.extui %sign3A_50 : vector<4x8xi1> to vector<4x8xi32>
    %sign3A_52 = arith.subi %sign3A_47, %sign3A_51 : vector<4x8xi32>
    %sign3A_53 = arith.constant 0 : i32
    %sign3A_54 = arith.cmpi sgt, %jit3A_41, %sign3A_53 : i32
    %sign3A_55 = arith.extui %sign3A_54 : i1 to i32
    %sign3A_56 = arith.constant 0 : i32
    %sign3A_57 = arith.cmpi slt, %jit3A_41, %sign3A_56 : i32
    %sign3A_58 = arith.extui %sign3A_57 : i1 to i32
    %sign3A_59 = arith.subi %sign3A_55, %sign3A_58 : i32
    %ne3A_60 = vector.broadcast %sign3A_59 : i32 to vector<4x8xi32>
    %ne3A_61 = arith.cmpi ne, %sign3A_52, %ne3A_60 : vector<4x8xi32>
    %rem3A_62 = vector.broadcast %jit3A_41 : i32 to vector<4x8xi32>
    %rem3A_63 = arith.remsi %iota3A_40, %rem3A_62 : vector<4x8xi32>
    %ne3A_64 = arith.constant 0 : i32
    %ne3A_65 = vector.broadcast %ne3A_64 : i32 to vector<4x8xi32>
    %ne3A_66 = arith.cmpi ne, %rem3A_63, %ne3A_65 : vector<4x8xi32>
    %and3A_67 = arith.andi %ne3A_61, %ne3A_66 : vector<4x8xi1>
    %sub3A_68 = arith.constant 1 : i32
    %sub3A_69 = vector.broadcast %sub3A_68 : i32 to vector<4x8xi32>
    %sub3A_70 = arith.subi %div3A_43, %sub3A_69 : vector<4x8xi32>
    %select_n3A_71 = arith.select %and3A_67, %sub3A_70, %div3A_43 : vector<4x8xi1>, vector<4x8xi32>
    %eq3A_72 = arith.cmpi eq, %select_n3A_71, %iota3A_39 : vector<4x8xi32>
    %convert_element_type3A_73 = arith.extui %eq3A_72 : vector<4x8xi1> to vector<4x8xi32>
    %convert_element_type3A_74 = arith.sitofp %convert_element_type3A_73 : vector<4x8xi32> to vector<4x8xf32>
    %dot_general3A = arith.constant dense<0.000000e+00> : vector<2048x4xf32>
    %dot_general3A_75 = tpu.matmul %add3A_12, %convert_element_type3A_38, %dot_general3A {dimension_numbers = #tpu.dot_dimension_numbers<[1], [0], [0], [1], [0, 0, 1, 1], [], []>, precision = #tpu.contract_precision<fp32>, transpose_lhs_hint = false} : vector<2048x8xf32>, vector<8x4xf32>, vector<2048x4xf32> -> vector<2048x4xf32>
    %reduce_max3A = arith.constant dense<0xFF800000> : vector<2048xf32>
    %reduce_max3A_76 = vector.multi_reduction <maximumf>, %dot_general3A_75, %reduce_max3A [1] : vector<2048x4xf32> to vector<2048xf32>
    %broadcast_in_dim3A = vector.shape_cast %reduce_max3A_76 : vector<2048xf32> to vector<2048x1xf32>
    %iota3A_77 = tpu.iota {dimensions = array<i32: 1>} : vector<2048x4xi32>
    %eq3A_78 = vector.broadcast %broadcast_in_dim3A : vector<2048x1xf32> to vector<2048x4xf32>
    %eq3A_79 = arith.cmpf oeq, %dot_general3A_75, %eq3A_78 : vector<2048x4xf32>
    %jit3A_80 = arith.constant 4 : i32
    %broadcast_in_dim3A_81 = vector.broadcast %jit3A_80 : i32 to vector<2048x4xi32>
    %select_n3A_82 = arith.select %eq3A_79, %iota3A_77, %broadcast_in_dim3A_81 : vector<2048x4xi1>, vector<2048x4xi32>
    %reduce_min3A = arith.constant dense<2147483647> : vector<2048xi32>
    %reduce_min3A_83 = vector.multi_reduction <minsi>, %select_n3A_82, %reduce_min3A [1] : vector<2048x4xi32> to vector<2048xi32>
    %broadcast_in_dim3A_84 = vector.shape_cast %reduce_min3A_83 : vector<2048xi32> to vector<2048x1xi32>
    %eq3A_85 = vector.broadcast %broadcast_in_dim3A_84 : vector<2048x1xi32> to vector<2048x4xi32>
    %eq3A_86 = arith.cmpi eq, %iota3A_77, %eq3A_85 : vector<2048x4xi32>
    %jit3A_87 = arith.constant -1.000000e+30 : f32
    %broadcast_in_dim3A_88 = vector.broadcast %jit3A_87 : f32 to vector<2048x4xf32>
    %select_n3A_89 = arith.select %eq3A_86, %broadcast_in_dim3A_88, %dot_general3A_75 : vector<2048x4xi1>, vector<2048x4xf32>
    %reduce_max3A_90 = arith.constant dense<0xFF800000> : vector<2048xf32>
    %reduce_max3A_91 = vector.multi_reduction <maximumf>, %select_n3A_89, %reduce_max3A_90 [1] : vector<2048x4xf32> to vector<2048xf32>
    %broadcast_in_dim3A_92 = vector.shape_cast %reduce_max3A_91 : vector<2048xf32> to vector<2048x1xf32>
    %iota3A_93 = tpu.iota {dimensions = array<i32: 1>} : vector<2048x4xi32>
    %eq3A_94 = vector.broadcast %broadcast_in_dim3A_92 : vector<2048x1xf32> to vector<2048x4xf32>
    %eq3A_95 = arith.cmpf oeq, %select_n3A_89, %eq3A_94 : vector<2048x4xf32>
    %jit3A_96 = arith.constant 4 : i32
    %broadcast_in_dim3A_97 = vector.broadcast %jit3A_96 : i32 to vector<2048x4xi32>
    %select_n3A_98 = arith.select %eq3A_95, %iota3A_93, %broadcast_in_dim3A_97 : vector<2048x4xi1>, vector<2048x4xi32>
    %reduce_min3A_99 = arith.constant dense<2147483647> : vector<2048xi32>
    %reduce_min3A_100 = vector.multi_reduction <minsi>, %select_n3A_98, %reduce_min3A_99 [1] : vector<2048x4xi32> to vector<2048xi32>
    %broadcast_in_dim3A_101 = vector.shape_cast %reduce_min3A_100 : vector<2048xi32> to vector<2048x1xi32>
    %eq3A_102 = vector.broadcast %broadcast_in_dim3A_101 : vector<2048x1xi32> to vector<2048x4xi32>
    %eq3A_103 = arith.cmpi eq, %iota3A_93, %eq3A_102 : vector<2048x4xi32>
    %or3A = arith.ori %eq3A_86, %eq3A_103 : vector<2048x4xi1>
    %convert_element_type3A_104 = arith.extui %or3A : vector<2048x4xi1> to vector<2048x4xi32>
    %convert_element_type3A_105 = arith.sitofp %convert_element_type3A_104 : vector<2048x4xi32> to vector<2048x4xf32>
    %dot_general3A_106 = arith.constant dense<0.000000e+00> : vector<2048x8xf32>
    %dot_general3A_107 = tpu.matmul %convert_element_type3A_105, %convert_element_type3A_74, %dot_general3A_106 {dimension_numbers = #tpu.dot_dimension_numbers<[1], [0], [0], [1], [0, 0, 1, 1], [], []>, precision = #tpu.contract_precision<fp32>, transpose_lhs_hint = false} : vector<2048x4xf32>, vector<4x8xf32>, vector<2048x8xf32> -> vector<2048x8xf32>
    %gt3A = arith.constant 5.000000e-01 : f32
    %gt3A_108 = vector.broadcast %gt3A : f32 to vector<2048x8xf32>
    %gt3A_109 = arith.cmpf ogt, %dot_general3A_107, %gt3A_108 : vector<2048x8xf32>
    %jit3A_110 = arith.constant -1.000000e+09 : f32
    %broadcast_in_dim3A_111 = vector.broadcast %jit3A_110 : f32 to vector<2048x8xf32>
    %select_n3A_112 = arith.select %gt3A_109, %add3A_12, %broadcast_in_dim3A_111 : vector<2048x8xi1>, vector<2048x8xf32>
    %reduce_max3A_113 = arith.constant dense<0xFF800000> : vector<2048xf32>
    %reduce_max3A_114 = vector.multi_reduction <maximumf>, %select_n3A_112, %reduce_max3A_113 [1] : vector<2048x8xf32> to vector<2048xf32>
    %broadcast_in_dim3A_115 = vector.shape_cast %reduce_max3A_114 : vector<2048xf32> to vector<2048x1xf32>
    %iota3A_116 = tpu.iota {dimensions = array<i32: 1>} : vector<2048x8xi32>
    %eq3A_117 = vector.broadcast %broadcast_in_dim3A_115 : vector<2048x1xf32> to vector<2048x8xf32>
    %eq3A_118 = arith.cmpf oeq, %select_n3A_112, %eq3A_117 : vector<2048x8xf32>
    %jit3A_119 = arith.constant 8 : i32
    %broadcast_in_dim3A_120 = vector.broadcast %jit3A_119 : i32 to vector<2048x8xi32>
    %select_n3A_121 = arith.select %eq3A_118, %iota3A_116, %broadcast_in_dim3A_120 : vector<2048x8xi1>, vector<2048x8xi32>
    %reduce_min3A_122 = arith.constant dense<2147483647> : vector<2048xi32>
    %reduce_min3A_123 = vector.multi_reduction <minsi>, %select_n3A_121, %reduce_min3A_122 [1] : vector<2048x8xi32> to vector<2048xi32>
    %broadcast_in_dim3A_124 = vector.shape_cast %reduce_min3A_123 : vector<2048xi32> to vector<2048x1xi32>
    %eq3A_125 = vector.broadcast %broadcast_in_dim3A_124 : vector<2048x1xi32> to vector<2048x8xi32>
    %eq3A_126 = arith.cmpi eq, %iota3A_116, %eq3A_125 : vector<2048x8xi32>
    %jit3A_127 = arith.constant -1.000000e+30 : f32
    %broadcast_in_dim3A_128 = vector.broadcast %jit3A_127 : f32 to vector<2048x8xf32>
    %select_n3A_129 = arith.select %eq3A_126, %broadcast_in_dim3A_128, %select_n3A_112 : vector<2048x8xi1>, vector<2048x8xf32>
    %reduce_max3A_130 = arith.constant dense<0xFF800000> : vector<2048xf32>
    %reduce_max3A_131 = vector.multi_reduction <maximumf>, %select_n3A_129, %reduce_max3A_130 [1] : vector<2048x8xf32> to vector<2048xf32>
    %broadcast_in_dim3A_132 = vector.shape_cast %reduce_max3A_131 : vector<2048xf32> to vector<2048x1xf32>
    %iota3A_133 = tpu.iota {dimensions = array<i32: 1>} : vector<2048x8xi32>
    %eq3A_134 = vector.broadcast %broadcast_in_dim3A_132 : vector<2048x1xf32> to vector<2048x8xf32>
    %eq3A_135 = arith.cmpf oeq, %select_n3A_129, %eq3A_134 : vector<2048x8xf32>
    %jit3A_136 = arith.constant 8 : i32
    %broadcast_in_dim3A_137 = vector.broadcast %jit3A_136 : i32 to vector<2048x8xi32>
    %select_n3A_138 = arith.select %eq3A_135, %iota3A_133, %broadcast_in_dim3A_137 : vector<2048x8xi1>, vector<2048x8xi32>
    %reduce_min3A_139 = arith.constant dense<2147483647> : vector<2048xi32>
    %reduce_min3A_140 = vector.multi_reduction <minsi>, %select_n3A_138, %reduce_min3A_139 [1] : vector<2048x8xi32> to vector<2048xi32>
    %broadcast_in_dim3A_141 = vector.shape_cast %reduce_min3A_140 : vector<2048xi32> to vector<2048x1xi32>
    %eq3A_142 = vector.broadcast %broadcast_in_dim3A_141 : vector<2048x1xi32> to vector<2048x8xi32>
    %eq3A_143 = arith.cmpi eq, %iota3A_133, %eq3A_142 : vector<2048x8xi32>
    %jit3A_144 = arith.constant 0.000000e+00 : f32
    %broadcast_in_dim3A_145 = vector.broadcast %jit3A_144 : f32 to vector<2048x8xf32>
    %select_n3A_146 = arith.select %eq3A_126, %div3A_7, %broadcast_in_dim3A_145 : vector<2048x8xi1>, vector<2048x8xf32>
    %reduce_sum3A = arith.constant dense<0.000000e+00> : vector<2048xf32>
    %reduce_sum3A_147 = vector.multi_reduction <add>, %select_n3A_146, %reduce_sum3A [1] : vector<2048x8xf32> to vector<2048xf32>
    %broadcast_in_dim3A_148 = vector.shape_cast %reduce_sum3A_147 : vector<2048xf32> to vector<2048x1xf32>
    %jit3A_149 = arith.constant 0.000000e+00 : f32
    %broadcast_in_dim3A_150 = vector.broadcast %jit3A_149 : f32 to vector<2048x8xf32>
    %select_n3A_151 = arith.select %eq3A_143, %div3A_7, %broadcast_in_dim3A_150 : vector<2048x8xi1>, vector<2048x8xf32>
    %reduce_sum3A_152 = arith.constant dense<0.000000e+00> : vector<2048xf32>
    %reduce_sum3A_153 = vector.multi_reduction <add>, %select_n3A_151, %reduce_sum3A_152 [1] : vector<2048x8xf32> to vector<2048xf32>
    %broadcast_in_dim3A_154 = vector.shape_cast %reduce_sum3A_153 : vector<2048xf32> to vector<2048x1xf32>
    %add3A_155 = arith.addf %broadcast_in_dim3A_148, %broadcast_in_dim3A_154 : vector<2048x1xf32>
    %add3A_156 = arith.constant 9.99999968E-21 : f32
    %add3A_157 = vector.broadcast %add3A_156 : f32 to vector<2048x1xf32>
    %add3A_158 = arith.addf %add3A_155, %add3A_157 : vector<2048x1xf32>
    %div3A_159 = arith.constant 2.500000e+00 : f32
    %div3A_160 = vector.broadcast %div3A_159 : f32 to vector<2048x1xf32>
    %div3A_161 = arith.divf %div3A_160, %add3A_158 : vector<2048x1xf32>
    %mul3A = arith.mulf %broadcast_in_dim3A_148, %div3A_161 : vector<2048x1xf32>
    %mul3A_162 = arith.mulf %broadcast_in_dim3A_154, %div3A_161 : vector<2048x1xf32>
    %concatenate3A = tpu.concatenate %mul3A, %mul3A_162 in 1 : vector<2048x1xf32>, vector<2048x1xf32> -> vector<2048x2xf32>
    %swap3A = arith.constant 0 : index
    %swap3A_163 = arith.constant 0 : index
    %swap3A_164 = vector.load %arg4[%swap3A, %swap3A_163] : memref<2048x2xf32, #tpu.memory_space<vmem>>, vector<2048x2xf32>
    tpu.vector_store %arg4[%swap3A, %swap3A_163], %concatenate3A {strides = array<i32>} : memref<2048x2xf32, #tpu.memory_space<vmem>>, vector<2048x2xf32>,
    %jit3A_165 = arith.constant 1.000000e+00 : f32
    %jit3A_166 = arith.constant 0.000000e+00 : f32
    %broadcast_in_dim3A_167 = vector.broadcast %jit3A_165 : f32 to vector<2048x8xf32>
    %broadcast_in_dim3A_168 = vector.broadcast %jit3A_166 : f32 to vector<2048x8xf32>
    %select_n3A_169 = arith.select %eq3A_126, %broadcast_in_dim3A_167, %broadcast_in_dim3A_168 : vector<2048x8xi1>, vector<2048x8xf32>
    %jit3A_170 = arith.constant 1.000000e+00 : f32
    %jit3A_171 = arith.constant 0.000000e+00 : f32
    %broadcast_in_dim3A_172 = vector.broadcast %jit3A_170 : f32 to vector<2048x8xf32>
    %broadcast_in_dim3A_173 = vector.broadcast %jit3A_171 : f32 to vector<2048x8xf32>
    %select_n3A_174 = arith.select %eq3A_143, %broadcast_in_dim3A_172, %broadcast_in_dim3A_173 : vector<2048x8xi1>, vector<2048x8xf32>
    %add3A_175 = arith.addf %select_n3A_169, %select_n3A_174 : vector<2048x8xf32>
    %broadcast_in_dim3A_176 = arith.constant 0.000000e+00 : f32
    %broadcast_in_dim3A_177 = vector.broadcast %broadcast_in_dim3A_176 : f32 to vector<1x8xf32>
    %slice3A = vector.extract_strided_slice %add3A_175 {offsets = [0, 0], sizes = [2047, 8], strides = [1, 1]} : vector<2048x8xf32> to vector<2047x8xf32>
    %concatenate3A_178 = tpu.concatenate %broadcast_in_dim3A_177, %slice3A in 0 : vector<1x8xf32>, vector<2047x8xf32> -> vector<2048x8xf32>
    %add3A_179 = arith.addf %add3A_175, %concatenate3A_178 : vector<2048x8xf32>
    %broadcast_in_dim3A_180 = arith.constant 0.000000e+00 : f32
    %broadcast_in_dim3A_181 = vector.broadcast %broadcast_in_dim3A_180 : f32 to vector<2x8xf32>
    %slice3A_182 = vector.extract_strided_slice %add3A_179 {offsets = [0, 0], sizes = [2046, 8], strides = [1, 1]} : vector<2048x8xf32> to vector<2046x8xf32>
    %concatenate3A_183 = tpu.concatenate %broadcast_in_dim3A_181, %slice3A_182 in 0 : vector<2x8xf32>, vector<2046x8xf32> -> vector<2048x8xf32>
    %add3A_184 = arith.addf %add3A_179, %concatenate3A_183 : vector<2048x8xf32>
    %broadcast_in_dim3A_185 = arith.constant 0.000000e+00 : f32
    %broadcast_in_dim3A_186 = vector.broadcast %broadcast_in_dim3A_185 : f32 to vector<4x8xf32>
    %slice3A_187 = vector.extract_strided_slice %add3A_184 {offsets = [0, 0], sizes = [2044, 8], strides = [1, 1]} : vector<2048x8xf32> to vector<2044x8xf32>
    %concatenate3A_188 = tpu.concatenate %broadcast_in_dim3A_186, %slice3A_187 in 0 : vector<4x8xf32>, vector<2044x8xf32> -> vector<2048x8xf32>
    %add3A_189 = arith.addf %add3A_184, %concatenate3A_188 : vector<2048x8xf32>
    %broadcast_in_dim3A_190 = arith.constant 0.000000e+00 : f32
    %broadcast_in_dim3A_191 = vector.broadcast %broadcast_in_dim3A_190 : f32 to vector<8x8xf32>
    %slice3A_192 = vector.extract_strided_slice %add3A_189 {offsets = [0, 0], sizes = [2040, 8], strides = [1, 1]} : vector<2048x8xf32> to vector<2040x8xf32>
    %concatenate3A_193 = tpu.concatenate %broadcast_in_dim3A_191, %slice3A_192 in 0 : vector<8x8xf32>, vector<2040x8xf32> -> vector<2048x8xf32>
    %add3A_194 = arith.addf %add3A_189, %concatenate3A_193 : vector<2048x8xf32>
    %broadcast_in_dim3A_195 = arith.constant 0.000000e+00 : f32
    %broadcast_in_dim3A_196 = vector.broadcast %broadcast_in_dim3A_195 : f32 to vector<16x8xf32>
    %slice3A_197 = vector.extract_strided_slice %add3A_194 {offsets = [0, 0], sizes = [2032, 8], strides = [1, 1]} : vector<2048x8xf32> to vector<2032x8xf32>
    %concatenate3A_198 = tpu.concatenate %broadcast_in_dim3A_196, %slice3A_197 in 0 : vector<16x8xf32>, vector<2032x8xf32> -> vector<2048x8xf32>
    %add3A_199 = arith.addf %add3A_194, %concatenate3A_198 : vector<2048x8xf32>
    %broadcast_in_dim3A_200 = arith.constant 0.000000e+00 : f32
    %broadcast_in_dim3A_201 = vector.broadcast %broadcast_in_dim3A_200 : f32 to vector<32x8xf32>
    %slice3A_202 = vector.extract_strided_slice %add3A_199 {offsets = [0, 0], sizes = [2016, 8], strides = [1, 1]} : vector<2048x8xf32> to vector<2016x8xf32>
    %concatenate3A_203 = tpu.concatenate %broadcast_in_dim3A_201, %slice3A_202 in 0 : vector<32x8xf32>, vector<2016x8xf32> -> vector<2048x8xf32>
    %add3A_204 = arith.addf %add3A_199, %concatenate3A_203 : vector<2048x8xf32>
    %broadcast_in_dim3A_205 = arith.constant 0.000000e+00 : f32
    %broadcast_in_dim3A_206 = vector.broadcast %broadcast_in_dim3A_205 : f32 to vector<64x8xf32>
    %slice3A_207 = vector.extract_strided_slice %add3A_204 {offsets = [0, 0], sizes = [1984, 8], strides = [1, 1]} : vector<2048x8xf32> to vector<1984x8xf32>
    %concatenate3A_208 = tpu.concatenate %broadcast_in_dim3A_206, %slice3A_207 in 0 : vector<64x8xf32>, vector<1984x8xf32> -> vector<2048x8xf32>
    %add3A_209 = arith.addf %add3A_204, %concatenate3A_208 : vector<2048x8xf32>
    %broadcast_in_dim3A_210 = arith.constant 0.000000e+00 : f32
    %broadcast_in_dim3A_211 = vector.broadcast %broadcast_in_dim3A_210 : f32 to vector<128x8xf32>
    %slice3A_212 = vector.extract_strided_slice %add3A_209 {offsets = [0, 0], sizes = [1920, 8], strides = [1, 1]} : vector<2048x8xf32> to vector<1920x8xf32>
    %concatenate3A_213 = tpu.concatenate %broadcast_in_dim3A_211, %slice3A_212 in 0 : vector<128x8xf32>, vector<1920x8xf32> -> vector<2048x8xf32>
    %add3A_214 = arith.addf %add3A_209, %concatenate3A_213 : vector<2048x8xf32>
    %broadcast_in_dim3A_215 = arith.constant 0.000000e+00 : f32
    %broadcast_in_dim3A_216 = vector.broadcast %broadcast_in_dim3A_215 : f32 to vector<256x8xf32>
    %slice3A_217 = vector.extract_strided_slice %add3A_214 {offsets = [0, 0], sizes = [1792, 8], strides = [1, 1]} : vector<2048x8xf32> to vector<1792x8xf32>
    %concatenate3A_218 = tpu.concatenate %broadcast_in_dim3A_216, %slice3A_217 in 0 : vector<256x8xf32>, vector<1792x8xf32> -> vector<2048x8xf32>
    %add3A_219 = arith.addf %add3A_214, %concatenate3A_218 : vector<2048x8xf32>
    %broadcast_in_dim3A_220 = arith.constant 0.000000e+00 : f32
    %broadcast_in_dim3A_221 = vector.broadcast %broadcast_in_dim3A_220 : f32 to vector<512x8xf32>
    %slice3A_222 = vector.extract_strided_slice %add3A_219 {offsets = [0, 0], sizes = [1536, 8], strides = [1, 1]} : vector<2048x8xf32> to vector<1536x8xf32>
    %concatenate3A_223 = tpu.concatenate %broadcast_in_dim3A_221, %slice3A_222 in 0 : vector<512x8xf32>, vector<1536x8xf32> -> vector<2048x8xf32>
    %add3A_224 = arith.addf %add3A_219, %concatenate3A_223 : vector<2048x8xf32>
    %broadcast_in_dim3A_225 = arith.constant 0.000000e+00 : f32
    %broadcast_in_dim3A_226 = vector.broadcast %broadcast_in_dim3A_225 : f32 to vector<1024x8xf32>
    %slice3A_227 = vector.extract_strided_slice %add3A_224 {offsets = [0, 0], sizes = [1024, 8], strides = [1, 1]} : vector<2048x8xf32> to vector<1024x8xf32>
    %concatenate3A_228 = tpu.concatenate %broadcast_in_dim3A_226, %slice3A_227 in 0 : vector<1024x8xf32>, vector<1024x8xf32> -> vector<2048x8xf32>
    %add3A_229 = arith.addf %add3A_224, %concatenate3A_228 : vector<2048x8xf32>
    %slice3A_230 = vector.extract_strided_slice %add3A_229 {offsets = [2047, 0], sizes = [1, 8], strides = [1, 1]} : vector<2048x8xf32> to vector<1x8xf32>
    %convert_element_type3A_231 = arith.fptosi %slice3A_230 : vector<1x8xf32> to vector<1x8xi32>
    %add3A_232 = arith.constant 256 : i32
    %add3A_233 = vector.broadcast %add3A_232 : i32 to vector<1x8xi32>
    %add3A_234 = arith.addi %convert_element_type3A_231, %add3A_233 : vector<1x8xi32>
    %sub3A_235 = arith.constant 1 : i32
    %sub3A_236 = vector.broadcast %sub3A_235 : i32 to vector<1x8xi32>
    %sub3A_237 = arith.subi %add3A_234, %sub3A_236 : vector<1x8xi32>
    %jit3A_238 = arith.constant 256 : i32
    %div3A_239 = vector.broadcast %jit3A_238 : i32 to vector<1x8xi32>
    %div3A_240 = arith.divsi %sub3A_237, %div3A_239 : vector<1x8xi32>
    %sign3A_241 = arith.constant 0 : i32
    %sign3A_242 = vector.broadcast %sign3A_241 : i32 to vector<1x8xi32>
    %sign3A_243 = arith.cmpi sgt, %sub3A_237, %sign3A_242 : vector<1x8xi32>
    %sign3A_244 = arith.extui %sign3A_243 : vector<1x8xi1> to vector<1x8xi32>
    %sign3A_245 = arith.constant 0 : i32
    %sign3A_246 = vector.broadcast %sign3A_245 : i32 to vector<1x8xi32>
    %sign3A_247 = arith.cmpi slt, %sub3A_237, %sign3A_246 : vector<1x8xi32>
    %sign3A_248 = arith.extui %sign3A_247 : vector<1x8xi1> to vector<1x8xi32>
    %sign3A_249 = arith.subi %sign3A_244, %sign3A_248 : vector<1x8xi32>
    %sign3A_250 = arith.constant 0 : i32
    %sign3A_251 = arith.cmpi sgt, %jit3A_238, %sign3A_250 : i32
    %sign3A_252 = arith.extui %sign3A_251 : i1 to i32
    %sign3A_253 = arith.constant 0 : i32
    %sign3A_254 = arith.cmpi slt, %jit3A_238, %sign3A_253 : i32
    %sign3A_255 = arith.extui %sign3A_254 : i1 to i32
    %sign3A_256 = arith.subi %sign3A_252, %sign3A_255 : i32
    %ne3A_257 = vector.broadcast %sign3A_256 : i32 to vector<1x8xi32>
    %ne3A_258 = arith.cmpi ne, %sign3A_249, %ne3A_257 : vector<1x8xi32>
    %rem3A_259 = vector.broadcast %jit3A_238 : i32 to vector<1x8xi32>
    %rem3A_260 = arith.remsi %sub3A_237, %rem3A_259 : vector<1x8xi32>
    %ne3A_261 = arith.constant 0 : i32
    %ne3A_262 = vector.broadcast %ne3A_261 : i32 to vector<1x8xi32>
    %ne3A_263 = arith.cmpi ne, %rem3A_260, %ne3A_262 : vector<1x8xi32>
    %and3A_264 = arith.andi %ne3A_258, %ne3A_263 : vector<1x8xi1>
    %sub3A_265 = arith.constant 1 : i32
    %sub3A_266 = vector.broadcast %sub3A_265 : i32 to vector<1x8xi32>
    %sub3A_267 = arith.subi %div3A_240, %sub3A_266 : vector<1x8xi32>
    %select_n3A_268 = arith.select %and3A_264, %sub3A_267, %div3A_240 : vector<1x8xi1>, vector<1x8xi32>
    %mul3A_269 = arith.constant 256 : i32
    %mul3A_270 = vector.broadcast %mul3A_269 : i32 to vector<1x8xi32>
    %mul3A_271 = arith.muli %select_n3A_268, %mul3A_270 : vector<1x8xi32>
    %iota3A_272 = tpu.iota {dimensions = array<i32: 0>} : vector<8x8xi32>
    %iota3A_273 = tpu.iota {dimensions = array<i32: 1>} : vector<8x8xi32>
    %lt3A = arith.cmpi slt, %iota3A_272, %iota3A_273 : vector<8x8xi32>
    %convert_element_type3A_274 = arith.extui %lt3A : vector<8x8xi1> to vector<8x8xi32>
    %convert_element_type3A_275 = arith.sitofp %convert_element_type3A_274 : vector<8x8xi32> to vector<8x8xf32>
    %convert_element_type3A_276 = arith.sitofp %mul3A_271 : vector<1x8xi32> to vector<1x8xf32>
    %dot_general3A_277 = arith.constant dense<0.000000e+00> : vector<1x8xf32>
    %dot_general3A_278 = tpu.matmul %convert_element_type3A_276, %convert_element_type3A_275, %dot_general3A_277 {dimension_numbers = #tpu.dot_dimension_numbers<[1], [0], [0], [1], [0, 0, 1, 1], [], []>, precision = #tpu.contract_precision<fp32>, transpose_lhs_hint = false} : vector<1x8xf32>, vector<8x8xf32>, vector<1x8xf32> -> vector<1x8xf32>
    %add3A_279 = vector.broadcast %dot_general3A_278 : vector<1x8xf32> to vector<2048x8xf32>
    %add3A_280 = arith.addf %add3A_279, %add3A_229 : vector<2048x8xf32>
    %sub3A_281 = arith.constant 1.000000e+00 : f32
    %sub3A_282 = vector.broadcast %sub3A_281 : f32 to vector<2048x8xf32>
    %sub3A_283 = arith.subf %add3A_280, %sub3A_282 : vector<2048x8xf32>
    %jit3A_284 = arith.constant 0.000000e+00 : f32
    %broadcast_in_dim3A_285 = vector.broadcast %jit3A_284 : f32 to vector<2048x8xf32>
    %select_n3A_286 = arith.select %eq3A_126, %sub3A_283, %broadcast_in_dim3A_285 : vector<2048x8xi1>, vector<2048x8xf32>
    %reduce_sum3A_287 = arith.constant dense<0.000000e+00> : vector<2048xf32>
    %reduce_sum3A_288 = vector.multi_reduction <add>, %select_n3A_286, %reduce_sum3A_287 [1] : vector<2048x8xf32> to vector<2048xf32>
    %broadcast_in_dim3A_289 = vector.shape_cast %reduce_sum3A_288 : vector<2048xf32> to vector<2048x1xf32>
    %jit3A_290 = arith.constant 0.000000e+00 : f32
    %broadcast_in_dim3A_291 = vector.broadcast %jit3A_290 : f32 to vector<2048x8xf32>
    %select_n3A_292 = arith.select %eq3A_143, %sub3A_283, %broadcast_in_dim3A_291 : vector<2048x8xi1>, vector<2048x8xf32>
    %reduce_sum3A_293 = arith.constant dense<0.000000e+00> : vector<2048xf32>
    %reduce_sum3A_294 = vector.multi_reduction <add>, %select_n3A_292, %reduce_sum3A_293 [1] : vector<2048x8xf32> to vector<2048xf32>
    %broadcast_in_dim3A_295 = vector.shape_cast %reduce_sum3A_294 : vector<2048xf32> to vector<2048x1xf32>
    %convert_element_type3A_296 = arith.fptosi %broadcast_in_dim3A_289 : vector<2048x1xf32> to vector<2048x1xi32>
    %swap3A_297 = arith.constant 0 : index
    %swap3A_298 = arith.constant 0 : index
    %swap3A_299 = vector.load %arg2[%swap3A_297, %swap3A_298] : memref<2048x1xi32, #tpu.memory_space<vmem>>, vector<2048x1xi32>
    tpu.vector_store %arg2[%swap3A_297, %swap3A_298], %convert_element_type3A_296 {strides = array<i32>} : memref<2048x1xi32, #tpu.memory_space<vmem>>, vector<2048x1xi32>,
    %convert_element_type3A_300 = arith.fptosi %broadcast_in_dim3A_295 : vector<2048x1xf32> to vector<2048x1xi32>
    %swap3A_301 = arith.constant 0 : index
    %swap3A_302 = arith.constant 0 : index
    %swap3A_303 = vector.load %arg3[%swap3A_301, %swap3A_302] : memref<2048x1xi32, #tpu.memory_space<vmem>>, vector<2048x1xi32>
    tpu.vector_store %arg3[%swap3A_301, %swap3A_302], %convert_element_type3A_300 {strides = array<i32>} : memref<2048x1xi32, #tpu.memory_space<vmem>>, vector<2048x1xi32>,
    %iota3A_304 = tpu.iota {dimensions = array<i32: 0>} : vector<24x8xi32>
    %convert_element_type3A_305 = arith.fptosi %dot_general3A_278 : vector<1x8xf32> to vector<1x8xi32>
    %broadcast_in_dim3A_306 = vector.shape_cast %convert_element_type3A_305 : vector<1x8xi32> to vector<1x8xi32>
    %broadcast_in_dim3A_307 = vector.broadcast %broadcast_in_dim3A_306 : vector<1x8xi32> to vector<24x8xi32>
    %mul3A_308 = arith.constant 256 : i32
    %mul3A_309 = vector.broadcast %mul3A_308 : i32 to vector<24x8xi32>
    %mul3A_310 = arith.muli %iota3A_304, %mul3A_309 : vector<24x8xi32>
    %ge3A = arith.cmpi sge, %mul3A_310, %broadcast_in_dim3A_307 : vector<24x8xi32>
    %convert_element_type3A_311 = arith.extui %ge3A : vector<24x8xi1> to vector<24x8xi32>
    %reduce_sum3A_312 = arith.constant dense<0> : vector<24xi32>
    %reduce_sum3A_313 = vector.multi_reduction <add>, %convert_element_type3A_311, %reduce_sum3A_312 [1] : vector<24x8xi32> to vector<24xi32>
    %broadcast_in_dim3A_314 = vector.shape_cast %reduce_sum3A_313 : vector<24xi32> to vector<24x1xi32>
    %sub3A_315 = arith.constant 1 : i32
    %sub3A_316 = vector.broadcast %sub3A_315 : i32 to vector<24x1xi32>
    %sub3A_317 = arith.subi %broadcast_in_dim3A_314, %sub3A_316 : vector<24x1xi32>
    %swap3A_318 = arith.constant 0 : index
    %swap3A_319 = arith.constant 0 : index
    %swap3A_320 = vector.load %arg5[%swap3A_318, %swap3A_319] : memref<24x1xi32, #tpu.memory_space<vmem>>, vector<24x1xi32>
    tpu.vector_store %arg5[%swap3A_318, %swap3A_319], %sub3A_317 {strides = array<i32>} : memref<24x1xi32, #tpu.memory_space<vmem>>, vector<24x1xi32>,
    return
  }
}

module attributes {stable_mosaic.version = 14 : i64} {
  func.func @_shared_body(%arg0: i32, %arg1: memref<512x1024xf32, #tpu.memory_space<vmem>>, %arg2: memref<1024x1024xf32, #tpu.memory_space<vmem>>, %arg3: memref<1024x1024xf32, #tpu.memory_space<vmem>>, %arg4: memref<1024x1024xf32, #tpu.memory_space<vmem>>, %arg5: memref<24x1xi32, #tpu.memory_space<vmem>>, %arg6: memref<512x1024xf32, #tpu.memory_space<vmem>>) attributes {dimension_semantics = [#tpu.dimension_semantics<arbitrary>], iteration_bounds = array<i64: 2>, scalar_prefetch = 0 : i64, scratch_operands = 0 : i64, tpu.core_type = #tpu.core_type<tc>, window_params = [{transform_indices = @transform_0, window_bounds = array<i64: 512, 1024>}, {pipeline_mode = #tpu.pipeline_mode<synchronous>, transform_indices = @transform_1, window_bounds = array<i64: 1024, 1024>}, {pipeline_mode = #tpu.pipeline_mode<synchronous>, transform_indices = @transform_2, window_bounds = array<i64: 1024, 1024>}, {pipeline_mode = #tpu.pipeline_mode<synchronous>, transform_indices = @transform_3, window_bounds = array<i64: 1024, 1024>}, {pipeline_mode = #tpu.pipeline_mode<synchronous>, transform_indices = @transform_4, window_bounds = array<i64: 24, 1>}, {transform_indices = @transform_5, window_bounds = array<i64: 512, 1024>}]} {
    %get3A = arith.constant 0 : index
    %get3A_0 = arith.constant 0 : index
    %get3A_1 = vector.load %arg1[%get3A, %get3A_0] : memref<512x1024xf32, #tpu.memory_space<vmem>>, vector<512x1024xf32>
    %convert_element_type3A = arith.truncf %get3A_1 : vector<512x1024xf32> to vector<512x1024xbf16>
    %get3A_2 = arith.constant 0 : index
    %get3A_3 = arith.constant 0 : index
    %get3A_4 = vector.load %arg2[%get3A_2, %get3A_3] : memref<1024x1024xf32, #tpu.memory_space<vmem>>, vector<1024x1024xf32>
    %convert_element_type3A_5 = arith.truncf %get3A_4 : vector<1024x1024xf32> to vector<1024x1024xbf16>
    %dot_general3A = arith.constant dense<0.000000e+00> : vector<512x1024xf32>
    %dot_general3A_6 = tpu.matmul %convert_element_type3A, %convert_element_type3A_5, %dot_general3A {dimension_numbers = #tpu.dot_dimension_numbers<[1], [0], [0], [1], [0, 0, 1, 1], [], []>, transpose_lhs_hint = false} : vector<512x1024xbf16>, vector<1024x1024xbf16>, vector<512x1024xf32> -> vector<512x1024xf32>
    %get3A_7 = arith.constant 0 : index
    %get3A_8 = arith.constant 0 : index
    %get3A_9 = vector.load %arg3[%get3A_7, %get3A_8] : memref<1024x1024xf32, #tpu.memory_space<vmem>>, vector<1024x1024xf32>
    %convert_element_type3A_10 = arith.truncf %get3A_9 : vector<1024x1024xf32> to vector<1024x1024xbf16>
    %dot_general3A_11 = arith.constant dense<0.000000e+00> : vector<512x1024xf32>
    %dot_general3A_12 = tpu.matmul %convert_element_type3A, %convert_element_type3A_10, %dot_general3A_11 {dimension_numbers = #tpu.dot_dimension_numbers<[1], [0], [0], [1], [0, 0, 1, 1], [], []>, transpose_lhs_hint = false} : vector<512x1024xbf16>, vector<1024x1024xbf16>, vector<512x1024xf32> -> vector<512x1024xf32>
    %neg3A = arith.constant 0.000000e+00 : f32
    %neg3A_13 = vector.broadcast %neg3A : f32 to vector<512x1024xf32>
    %neg3A_14 = arith.subf %neg3A_13, %dot_general3A_6 : vector<512x1024xf32>
    %exp3A = math.exp %neg3A_14 : vector<512x1024xf32>
    %add3A = arith.constant 1.000000e+00 : f32
    %add3A_15 = vector.broadcast %add3A : f32 to vector<512x1024xf32>
    %add3A_16 = arith.addf %add3A_15, %exp3A : vector<512x1024xf32>
    %div3A = arith.divf %dot_general3A_6, %add3A_16 : vector<512x1024xf32>
    %mul3A = arith.mulf %div3A, %dot_general3A_12 : vector<512x1024xf32>
    %convert_element_type3A_17 = arith.truncf %mul3A : vector<512x1024xf32> to vector<512x1024xbf16>
    %get3A_18 = arith.constant 0 : index
    %get3A_19 = arith.constant 0 : index
    %get3A_20 = vector.load %arg4[%get3A_18, %get3A_19] : memref<1024x1024xf32, #tpu.memory_space<vmem>>, vector<1024x1024xf32>
    %convert_element_type3A_21 = arith.truncf %get3A_20 : vector<1024x1024xf32> to vector<1024x1024xbf16>
    %dot_general3A_22 = arith.constant dense<0.000000e+00> : vector<512x1024xf32>
    %dot_general3A_23 = tpu.matmul %convert_element_type3A_17, %convert_element_type3A_21, %dot_general3A_22 {dimension_numbers = #tpu.dot_dimension_numbers<[1], [0], [0], [1], [0, 0, 1, 1], [], []>, transpose_lhs_hint = false} : vector<512x1024xbf16>, vector<1024x1024xbf16>, vector<512x1024xf32> -> vector<512x1024xf32>
    %swap3A = arith.constant 0 : index
    %swap3A_24 = arith.constant 0 : index
    %swap3A_25 = vector.load %arg6[%swap3A, %swap3A_24] : memref<512x1024xf32, #tpu.memory_space<vmem>>, vector<512x1024xf32>
    tpu.vector_store %arg6[%swap3A, %swap3A_24], %dot_general3A_23 {strides = array<i32>} : memref<512x1024xf32, #tpu.memory_space<vmem>>, vector<512x1024xf32>,
    return
  }
  func.func @transform_0(%arg0: i32) -> (i32, i32) {
    %add3A = arith.constant 0 : i32
    %add3A_0 = arith.addi %arg0, %add3A : i32
    %c0_i32 = arith.constant 0 : i32
    %c0_i32_1 = arith.constant 0 : i32
    return %add3A_0, %c0_i32 : i32, i32
  }
  func.func @transform_1(%arg0: i32) -> (i32, i32) {
    %c0_i32 = arith.constant 0 : i32
    %c0_i32_0 = arith.constant 0 : i32
    %c0_i32_1 = arith.constant 0 : i32
    return %c0_i32, %c0_i32_0 : i32, i32
  }
  func.func @transform_2(%arg0: i32) -> (i32, i32) {
    %c0_i32 = arith.constant 0 : i32
    %c0_i32_0 = arith.constant 0 : i32
    %c0_i32_1 = arith.constant 0 : i32
    return %c0_i32, %c0_i32_0 : i32, i32
  }
  func.func @transform_3(%arg0: i32) -> (i32, i32) {
    %c0_i32 = arith.constant 0 : i32
    %c0_i32_0 = arith.constant 0 : i32
    %c0_i32_1 = arith.constant 0 : i32
    return %c0_i32, %c0_i32_0 : i32, i32
  }
  func.func @transform_4(%arg0: i32) -> (i32, i32) {
    %c0_i32 = arith.constant 0 : i32
    %c0_i32_0 = arith.constant 0 : i32
    %c0_i32_1 = arith.constant 0 : i32
    return %c0_i32, %c0_i32_0 : i32, i32
  }
  func.func @transform_5(%arg0: i32) -> (i32, i32) {
    %c0_i32 = arith.constant 0 : i32
    %c0_i32_0 = arith.constant 0 : i32
    return %arg0, %c0_i32 : i32, i32
  }
}

module attributes {stable_mosaic.version = 14 : i64} {
  func.func @_shared_body(%arg0: i32, %arg1: memref<512x1024xf32, #tpu.memory_space<vmem>>, %arg2: memref<1024x1024xf32, #tpu.memory_space<vmem>>, %arg3: memref<1024x1024xf32, #tpu.memory_space<vmem>>, %arg4: memref<1024x1024xf32, #tpu.memory_space<vmem>>, %arg5: memref<8x128xf32, #tpu.memory_space<vmem>>, %arg6: memref<512x1024xf32, #tpu.memory_space<vmem>>) attributes {dimension_semantics = [#tpu.dimension_semantics<arbitrary>], iteration_bounds = array<i64: 2>, scalar_prefetch = 0 : i64, scratch_operands = 0 : i64, tpu.core_type = #tpu.core_type<tc>, window_params = [{transform_indices = @transform_0, window_bounds = array<i64: 512, 1024>}, {pipeline_mode = #tpu.pipeline_mode<synchronous>, transform_indices = @transform_1, window_bounds = array<i64: 1024, 1024>}, {pipeline_mode = #tpu.pipeline_mode<synchronous>, transform_indices = @transform_2, window_bounds = array<i64: 1024, 1024>}, {pipeline_mode = #tpu.pipeline_mode<synchronous>, transform_indices = @transform_3, window_bounds = array<i64: 1024, 1024>}, {transform_indices = @transform_4, window_bounds = array<i64: 8, 128>}, {transform_indices = @transform_5, window_bounds = array<i64: 512, 1024>}]} {
    %get3A = arith.constant 0 : index
    %get3A_0 = arith.constant 0 : index
    %get3A_1 = vector.load %arg1[%get3A, %get3A_0] : memref<512x1024xf32, #tpu.memory_space<vmem>>, vector<512x1024xf32>
    %convert_element_type3A = arith.truncf %get3A_1 : vector<512x1024xf32> to vector<512x1024xbf16>
    %get3A_2 = arith.constant 0 : index
    %get3A_3 = arith.constant 0 : index
    %get3A_4 = vector.load %arg2[%get3A_2, %get3A_3] : memref<1024x1024xf32, #tpu.memory_space<vmem>>, vector<1024x1024xf32>
    %convert_element_type3A_5 = arith.truncf %get3A_4 : vector<1024x1024xf32> to vector<1024x1024xbf16>
    %dot_general3A = arith.constant dense<0.000000e+00> : vector<512x1024xf32>
    %dot_general3A_6 = tpu.matmul %convert_element_type3A, %convert_element_type3A_5, %dot_general3A {dimension_numbers = #tpu.dot_dimension_numbers<[1], [0], [0], [1], [0, 0, 1, 1], [], []>, transpose_lhs_hint = false} : vector<512x1024xbf16>, vector<1024x1024xbf16>, vector<512x1024xf32> -> vector<512x1024xf32>
    %get3A_7 = arith.constant 0 : index
    %get3A_8 = arith.constant 0 : index
    %get3A_9 = vector.load %arg3[%get3A_7, %get3A_8] : memref<1024x1024xf32, #tpu.memory_space<vmem>>, vector<1024x1024xf32>
    %convert_element_type3A_10 = arith.truncf %get3A_9 : vector<1024x1024xf32> to vector<1024x1024xbf16>
    %dot_general3A_11 = arith.constant dense<0.000000e+00> : vector<512x1024xf32>
    %dot_general3A_12 = tpu.matmul %convert_element_type3A, %convert_element_type3A_10, %dot_general3A_11 {dimension_numbers = #tpu.dot_dimension_numbers<[1], [0], [0], [1], [0, 0, 1, 1], [], []>, transpose_lhs_hint = false} : vector<512x1024xbf16>, vector<1024x1024xbf16>, vector<512x1024xf32> -> vector<512x1024xf32>
    %neg3A = arith.constant 0.000000e+00 : f32
    %neg3A_13 = vector.broadcast %neg3A : f32 to vector<512x1024xf32>
    %neg3A_14 = arith.subf %neg3A_13, %dot_general3A_6 : vector<512x1024xf32>
    %exp3A = math.exp %neg3A_14 : vector<512x1024xf32>
    %add3A = arith.constant 1.000000e+00 : f32
    %add3A_15 = vector.broadcast %add3A : f32 to vector<512x1024xf32>
    %add3A_16 = arith.addf %add3A_15, %exp3A : vector<512x1024xf32>
    %div3A = arith.divf %dot_general3A_6, %add3A_16 : vector<512x1024xf32>
    %mul3A = arith.mulf %div3A, %dot_general3A_12 : vector<512x1024xf32>
    %convert_element_type3A_17 = arith.truncf %mul3A : vector<512x1024xf32> to vector<512x1024xbf16>
    %get3A_18 = arith.constant 0 : index
    %get3A_19 = arith.constant 0 : index
    %get3A_20 = vector.load %arg4[%get3A_18, %get3A_19] : memref<1024x1024xf32, #tpu.memory_space<vmem>>, vector<1024x1024xf32>
    %convert_element_type3A_21 = arith.truncf %get3A_20 : vector<1024x1024xf32> to vector<1024x1024xbf16>
    %dot_general3A_22 = arith.constant dense<0.000000e+00> : vector<512x1024xf32>
    %dot_general3A_23 = tpu.matmul %convert_element_type3A_17, %convert_element_type3A_21, %dot_general3A_22 {dimension_numbers = #tpu.dot_dimension_numbers<[1], [0], [0], [1], [0, 0, 1, 1], [], []>, transpose_lhs_hint = false} : vector<512x1024xbf16>, vector<1024x1024xbf16>, vector<512x1024xf32> -> vector<512x1024xf32>
    %swap3A = arith.constant 0 : index
    %swap3A_24 = arith.constant 0 : index
    %swap3A_25 = vector.load %arg6[%swap3A, %swap3A_24] : memref<512x1024xf32, #tpu.memory_space<vmem>>, vector<512x1024xf32>
    tpu.vector_store %arg6[%swap3A, %swap3A_24], %dot_general3A_23 {strides = array<i32>} : memref<512x1024xf32, #tpu.memory_space<vmem>>, vector<512x1024xf32>,
    return
  }
  func.func @transform_0(%arg0: i32) -> (i32, i32) {
    %add3A = arith.constant 2 : i32
    %add3A_0 = arith.addi %arg0, %add3A : i32
    %c0_i32 = arith.constant 0 : i32
    %c0_i32_1 = arith.constant 0 : i32
    return %add3A_0, %c0_i32 : i32, i32
  }
  func.func @transform_1(%arg0: i32) -> (i32, i32) {
    %c0_i32 = arith.constant 0 : i32
    %c0_i32_0 = arith.constant 0 : i32
    %c0_i32_1 = arith.constant 0 : i32
    return %c0_i32, %c0_i32_0 : i32, i32
  }
  func.func @transform_2(%arg0: i32) -> (i32, i32) {
    %c0_i32 = arith.constant 0 : i32
    %c0_i32_0 = arith.constant 0 : i32
    %c0_i32_1 = arith.constant 0 : i32
    return %c0_i32, %c0_i32_0 : i32, i32
  }
  func.func @transform_3(%arg0: i32) -> (i32, i32) {
    %c0_i32 = arith.constant 0 : i32
    %c0_i32_0 = arith.constant 0 : i32
    %c0_i32_1 = arith.constant 0 : i32
    return %c0_i32, %c0_i32_0 : i32, i32
  }
  func.func @transform_4(%arg0: i32) -> (i32, i32) {
    %c0_i32 = arith.constant 0 : i32
    %c0_i32_0 = arith.constant 0 : i32
    %c0_i32_1 = arith.constant 0 : i32
    return %c0_i32, %c0_i32_0 : i32, i32
  }
  func.func @transform_5(%arg0: i32) -> (i32, i32) {
    %c0_i32 = arith.constant 0 : i32
    %c0_i32_0 = arith.constant 0 : i32
    return %arg0, %c0_i32 : i32, i32
  }
}

module attributes {stable_mosaic.version = 14 : i64} {
  func.func @_add_body(%arg0: i32, %arg1: memref<512x1024xf32, #tpu.memory_space<vmem>>, %arg2: memref<512x1024xf32, #tpu.memory_space<vmem>>, %arg3: memref<512x2xf32, #tpu.memory_space<vmem>>, %arg4: memref<512x1024xf32, #tpu.memory_space<vmem>>, %arg5: memref<512x1024xf32, #tpu.memory_space<vmem>>, %arg6: memref<512x1024xf32, #tpu.memory_space<vmem>>) attributes {dimension_semantics = [#tpu.dimension_semantics<arbitrary>], iteration_bounds = array<i64: 4>, scalar_prefetch = 0 : i64, scratch_operands = 0 : i64, tpu.core_type = #tpu.core_type<tc>, window_params = [{transform_indices = @transform_0, window_bounds = array<i64: 512, 1024>}, {transform_indices = @transform_1, window_bounds = array<i64: 512, 1024>}, {transform_indices = @transform_2, window_bounds = array<i64: 512, 2>}, {transform_indices = @transform_3, window_bounds = array<i64: 512, 1024>}, {transform_indices = @transform_4, window_bounds = array<i64: 512, 1024>}, {transform_indices = @transform_5, window_bounds = array<i64: 512, 1024>}]} {
    %get3A = arith.constant 0 : index
    %get3A_0 = arith.constant 0 : index
    %get3A_1 = vector.load %arg3[%get3A, %get3A_0] : memref<512x2xf32, #tpu.memory_space<vmem>>, vector<512x2xf32>
    %lt3A = arith.constant 2 : i32
    %lt3A_2 = arith.cmpi slt, %arg0, %lt3A : i32
    %get3A_3 = arith.constant 0 : index
    %get3A_4 = arith.constant 0 : index
    %get3A_5 = vector.load %arg1[%get3A_3, %get3A_4] : memref<512x1024xf32, #tpu.memory_space<vmem>>, vector<512x1024xf32>
    %get3A_6 = arith.constant 0 : index
    %get3A_7 = arith.constant 0 : index
    %get3A_8 = vector.load %arg2[%get3A_6, %get3A_7] : memref<512x1024xf32, #tpu.memory_space<vmem>>, vector<512x1024xf32>
    %select_n3A = arith.select %lt3A_2, %get3A_5, %get3A_8 : vector<512x1024xf32>
    %slice3A = vector.extract_strided_slice %get3A_1 {offsets = [0, 0], sizes = [512, 1], strides = [1, 1]} : vector<512x2xf32> to vector<512x1xf32>
    %get3A_9 = arith.constant 0 : index
    %get3A_10 = arith.constant 0 : index
    %get3A_11 = vector.load %arg4[%get3A_9, %get3A_10] : memref<512x1024xf32, #tpu.memory_space<vmem>>, vector<512x1024xf32>
    %mul3A = vector.broadcast %slice3A : vector<512x1xf32> to vector<512x1024xf32>
    %mul3A_12 = arith.mulf %mul3A, %get3A_11 : vector<512x1024xf32>
    %add3A = arith.addf %select_n3A, %mul3A_12 : vector<512x1024xf32>
    %slice3A_13 = vector.extract_strided_slice %get3A_1 {offsets = [0, 1], sizes = [512, 1], strides = [1, 1]} : vector<512x2xf32> to vector<512x1xf32>
    %get3A_14 = arith.constant 0 : index
    %get3A_15 = arith.constant 0 : index
    %get3A_16 = vector.load %arg5[%get3A_14, %get3A_15] : memref<512x1024xf32, #tpu.memory_space<vmem>>, vector<512x1024xf32>
    %mul3A_17 = vector.broadcast %slice3A_13 : vector<512x1xf32> to vector<512x1024xf32>
    %mul3A_18 = arith.mulf %mul3A_17, %get3A_16 : vector<512x1024xf32>
    %add3A_19 = arith.addf %add3A, %mul3A_18 : vector<512x1024xf32>
    %swap3A = arith.constant 0 : index
    %swap3A_20 = arith.constant 0 : index
    %swap3A_21 = vector.load %arg6[%swap3A, %swap3A_20] : memref<512x1024xf32, #tpu.memory_space<vmem>>, vector<512x1024xf32>
    tpu.vector_store %arg6[%swap3A, %swap3A_20], %add3A_19 {strides = array<i32>} : memref<512x1024xf32, #tpu.memory_space<vmem>>, vector<512x1024xf32>,
    return
  }
  func.func @transform_0(%arg0: i32) -> (i32, i32) {
    %jit3A = arith.constant 0 : i32
    %jit3A_0 = arith.constant 1 : i32
    %max3A = arith.maxsi %jit3A, %arg0 : i32
    %min3A = arith.minsi %jit3A_0, %max3A : i32
    %c0_i32 = arith.constant 0 : i32
    %c0_i32_1 = arith.constant 0 : i32
    return %min3A, %c0_i32 : i32, i32
  }
  func.func @transform_1(%arg0: i32) -> (i32, i32) {
    %sub3A = arith.constant 2 : i32
    %sub3A_0 = arith.subi %arg0, %sub3A : i32
    %jit3A = arith.constant 0 : i32
    %jit3A_1 = arith.constant 1 : i32
    %max3A = arith.maxsi %jit3A, %sub3A_0 : i32
    %min3A = arith.minsi %jit3A_1, %max3A : i32
    %c0_i32 = arith.constant 0 : i32
    %c0_i32_2 = arith.constant 0 : i32
    return %min3A, %c0_i32 : i32, i32
  }
  func.func @transform_2(%arg0: i32) -> (i32, i32) {
    %c0_i32 = arith.constant 0 : i32
    %c0_i32_0 = arith.constant 0 : i32
    return %arg0, %c0_i32 : i32, i32
  }
  func.func @transform_3(%arg0: i32) -> (i32, i32) {
    %c0_i32 = arith.constant 0 : i32
    %c0_i32_0 = arith.constant 0 : i32
    return %arg0, %c0_i32 : i32, i32
  }
  func.func @transform_4(%arg0: i32) -> (i32, i32) {
    %c0_i32 = arith.constant 0 : i32
    %c0_i32_0 = arith.constant 0 : i32
    return %arg0, %c0_i32 : i32, i32
  }
  func.func @transform_5(%arg0: i32) -> (i32, i32) {
    %c0_i32 = arith.constant 0 : i32
    %c0_i32_0 = arith.constant 0 : i32
    return %arg0, %c0_i32 : i32, i32
  }
}

</mosaic_0001>

<sc_bundles>
// kernel: kernel.12.cloned.1.call-start
scs
__scs_entry_jumppad:
0x0: {  	(pc) =	sbr.rel $0x88, $3  }
0x1: {  	(tag) =	ssettag $0x0;
	lr =	simm.s32 $0x1  }
0x2: {  	[smem:$0x3F98] =	sst lr;
	_ =	strace $0xD0000000  }
0x3: {  	_ = 	snop  }
0x4: {  	_ = 	snop  }
0x5: {  	_ = 	snop  }
0x6: {  	_ = 	snop  }
0x7: {  	_ = 	snop  }
__scs_overlays_trampoline_lowered:
0x8: {  	[smem:$0x3FA7] =	sst s0  }
0x9: {  	[smem:$0x3FA8] =	sst s1  }
0xa: {  	[smem:$0x3FA9] =	sst s2  }
0xb: {  	[smem:$0x3FAA] =	sst s3  }
0xc: {  	[smem:$0x3FAB] =	sst s4  }
0xd: {  	[smem:$0x3FAC] =	sst s5  }
0xe: {  	[smem:$0x3FAD] =	sst s6  }
0xf: {  	[smem:$0x3FAE] =	sst s7  }
0x10: {  	[smem:$0x3FAF] =	sst s8  }
0x11: {  	[smem:$0x3FB0] =	sst s9;
	s0 =	simm.s32 @!p0 $0x0  }
0x12: {  	s1 =	sld [smem:$0x3F96];
	s0 =	simm.s32 @p0 $0x1  }
0x13: {  	[smem:$0x3FB1] =	sst s0;
	s0 =	simm.s32 @!p1 $0x0  }
0x14: {  	s2 =	sld [smem:$0x3F95];
	s0 =	simm.s32 @p1 $0x1  }
0x15: {  	[smem:$0x3FB2] =	sst s0;
	s0 =	simm.s32 @!p2 $0x0  }
0x16: {  	s3 =	sld [smem:$0x3FDB];
	s0 =	simm.s32 @p2 $0x1  }
0x17: {  	s4 =	simm.s32 $0x1BF5;
	[smem:$0x3FB4] =	sst s0  }
0x18: {  	s0 =	sld [smem:$0x3F97];
	_ =	swait.ge [sflag:s4], $0x0  }
0x19: {  	s7 =	sld [smem:$0x3F98]  }
0x1a: {  	s8 =	sadd.s32 $0xFFFFE003, lr  }
0x1b: {  	s9 =	sadd.s32 $0xFFFFFEF7, lr;
	s5 =	simm.s32 $0xFFFFFFFF;
	p2 =	slt.u32 s8, $0xFFFFF086  }
0x1c: {  	p1 =	slt.u32 s9, $0xF7A;
	s5 =	simm.s32 @!p2 $0x0  }
0x1d: {  	s5 =	simm.s32 @p1 $0x1;
	p0 =	seq.s32 s7, s2  }
0x1e: {  	s7 =	smul.u32 @!p0 $0xF7A, s2;
	p2 =	seq.s32 @!p0 s5, $0x0  }
0x1f: {  	s9 =	smul.u32 $0xF7A, s1;
	s8 =	simm.s32 @!p0 $0x1BF5;
	p2 =	por !p2, p0  }
0x20: {  	[sflag:s8] =	ssyncset.s32 @!p0 $0xFFFFF086;
	s6 =	sadd.s32 @!p0 s3, s7;
	s7 =	simm.s32 @!p0 $0x108  }
0x21: {  	s3 =	sadd.s32 s3, s9;
	s6 =	sadd.s32 @!p0 $0x88, s6;
	s7 =	simm.s32 @p2 $0x1082  }
0x22: {  	[simem:s7], [sflag:s8] =	dma.local @!p0 [hbm:s6], $0xF7A  }
0x23: {  	s9 =	sor.u32 $0xD0000000, s2;
	s6 =	simm.s32 $0x108;
	_ =	swait.ge @!p0 [sflag:s8], $0x0  }
0x24: {  	s3 =	sadd.s32 $0x88, s3;
	s6 =	simm.s32 @!p1 $0x1082;
	[sflag:s4] =	ssyncset.s32 $0xFFFFF086  }
0x25: {  	[simem:s6], [sflag:s4] =	dma.local [hbm:s3], $0xF7A  }
0x26: {  	[smem:$0x3F98] =	sst s1;
	(tag) =	ssettag s2;
	_ =	strace s9  }
0x27: {  	s1 =	sld [smem:$0x3FA8]  }
0x28: {  	s2 =	sld [smem:$0x3FA9]  }
0x29: {  	s4 =	sld [smem:$0x3FAB]  }
0x2a: {  	p0 =	seq.s32 s5, $0x0;
	s5 =	sld [smem:$0x3FAC]  }
0x2b: {  	s6 =	sld [smem:$0x3FAD]  }
0x2c: {  	s7 =	sld [smem:$0x3FAE]  }
0x2d: {  	s3 =	simm.s32 $0x108;
	s8 =	sld [smem:$0x3FAF]  }
0x2e: {  	s3 =	simm.s32 @!p0 $0x1082;
	s9 =	sld [smem:$0x3FB0]  }
0x2f: {  	lr =	sadd.s32 s0, s3;
	s0 =	sld [smem:$0x3FA7]  }
0x30: {  	s3 =	sld [smem:$0x3FAA]  }
0x31: {  	[smem:$0x3FB3] =	sst s10  }
0x32: {  	s10 =	sld [smem:$0x3FB1];
	_ =	sdelay $0x3  }
0x33: {  	p0 =	seq.s32 s10, $0x1;
	s10 =	sld [smem:$0x3FB3];
	_ =	sdelay $0x3  }
0x34: {  	[smem:$0x3FB3] =	sst s10  }
0x35: {  	s10 =	sld [smem:$0x3FB2];
	_ =	sdelay $0x3  }
0x36: {  	p1 =	seq.s32 s10, $0x1;
	s10 =	sld [smem:$0x3FB3];
	_ =	sdelay $0x3  }
0x37: {  	[smem:$0x3FB3] =	sst s10  }
0x38: {  	s10 =	sld [smem:$0x3FB4]  }
0x39: {  	_ = 	snop;
	(pc) =	sbr.ind lr, $3  }
0x3a: {  	_ = 	snop  }
0x3b: {  	_ = 	snop  }
0x3c: {  	p2 =	seq.s32 s10, $0x1;
	s10 =	sld [smem:$0x3FB3]  }
0x3d: {  	_ =	shalt  }
0x3e: {  	_ =	shalt  }
0x3f: {  	_ =	shalt  }
0x40: {  	_ =	shalt  }
0x41: {  	_ =	shalt  }
0x42: {  	_ =	shalt  }
0x43: {  	_ =	shalt  }
0x44: {  	_ =	shalt  }
0x45: {  	_ =	shalt  }
0x46: {  	_ =	shalt  }
0x47: {  	_ =	shalt  }
0x48: {  	_ =	shalt  }
0x49: {  	_ =	shalt  }
0x4a: {  	_ =	shalt  }
0x4b: {  	_ =	shalt  }
0x4c: {  	_ =	shalt  }
0x4d: {  	_ =	shalt  }
0x4e: {  	_ =	shalt  }
0x4f: {  	_ =	shalt  }
0x50: {  	_ =	shalt  }
0x51: {  	_ =	shalt  }
0x52: {  	_ =	shalt  }
0x53: {  	_ =	shalt  }
0x54: {  	_ =	shalt  }
0x55: {  	_ =	shalt  }
0x56: {  	_ =	shalt  }
0x57: {  	_ =	shalt  }
0x58: {  	_ =	shalt  }
0x59: {  	_ =	shalt  }
0x5a: {  	_ =	shalt  }
0x5b: {  	_ =	shalt  }
0x5c: {  	_ =	shalt  }
0x5d: {  	_ =	shalt  }
0x5e: {  	_ =	shalt  }
0x5f: {  	_ =	shalt  }
0x60: {  	_ =	shalt  }
0x61: {  	_ =	shalt  }
0x62: {  	_ =	shalt  }
0x63: {  	_ =	shalt  }
0x64: {  	_ =	shalt  }
0x65: {  	_ =	shalt  }
0x66: {  	_ =	shalt  }
0x67: {  	_ =	shalt  }
0x68: {  	_ =	shalt  }
0x69: {  	_ =	shalt  }
0x6a: {  	_ =	shalt  }
0x6b: {  	_ =	shalt  }
0x6c: {  	_ =	shalt  }
0x6d: {  	_ =	shalt  }
0x6e: {  	_ =	shalt  }
0x6f: {  	_ =	shalt  }
0x70: {  	_ =	shalt  }
0x71: {  	_ =	shalt  }
0x72: {  	_ =	shalt  }
0x73: {  	_ =	shalt  }
0x74: {  	_ =	shalt  }
0x75: {  	_ =	shalt  }
0x76: {  	_ =	shalt  }
0x77: {  	_ =	shalt  }
0x78: {  	_ =	shalt  }
0x79: {  	_ =	shalt  }
0x7a: {  	_ =	shalt  }
0x7b: {  	_ =	shalt  }
0x7c: {  	_ =	shalt  }
0x7d: {  	_ =	shalt  }
0x7e: {  	_ =	shalt  }
0x7f: {  	_ =	shalt  }
0x80: {  	_ =	shalt  }
0x81: {  	_ =	shalt  }
0x82: {  	_ =	shalt  }
0x83: {  	_ =	shalt  }
0x84: {  	_ =	shalt  }
0x85: {  	_ =	shalt  }
0x86: {  	_ =	shalt  }
0x87: {  	_ =	shalt  }
.Lfunc_end0:
.L_simem_size_0:
called_computation.1_lowered:
.L_overlay_start_0:
0x88: {  	s2 =	sld [smem:$0x3FD9]  }
0x89: {  	s3 =	sld [smem:$0x3FFE];
	_ =	sdelay $0x1  }
0x8a: {  	s1 =	srdreg.scid  }
0x8b: {  	s0 =	sand.u32 $0x1, s1  }
0x8c: {  	s17 =	sshll.u32 s0, $0xA;
	s2 =	sadd.s32 s3, s2  }
0x8d: {  	s2 =	sadd.s32 s2, s17  }
0x8e: {  	[smem:$0x3FBF] =	sst s2  }
0x8f: {  	_ = 	snop  }
0x90: {  	s2 =	sld [smem:$0x3FD0];
	(tm) =	ssettm $0x1  }
0x91: {  	s18 =	sld [smem:$0x3FFB];
	_ =	sdelay $0x3  }
0x92: {  	_ =	strace s18  }
0x93: {  	s3 =	sld [smem:$0x3FFC];
	_ =	sdelay $0x3  }
0x94: {  	_ =	strace s3  }
0x95: {  	s3 =	sld [smem:$0x3FFD];
	_ =	sdelay $0x3  }
0x96: {  	_ =	strace s3  }
0x97: {  	_ =	strace $0x8FFFFFFF  }
0x98: {  	s19 =	sld [smem:$0x3FDB];
	_ =	sdelay $0x1  }
0x99: {  	s4 =	simm.s32 $_scs_section_size  }
0x9a: {  	s5 =	simm.s32 $_size__tile_overlayer_lowered;
	s6 =	simm.s32 $_tile_overlayer_lowered  }
0x9b: {  	s22 =	simm.s32 $0x1BFF;
	s21 =	sshll.u32 s6, $0x1;
	s3 =	sadd.s32 s4, s19  }
0x9c: {  	s7 =	simm.s32 $0x0;
	s20 =	sshll.u32 s5, $0x1;
	s5 =	sadd.s32 s21, s3  }
0x9d: {  	[timem:s7], [sflag:s22] =	dma.local [hbm:s5], s20  }
0x9e: {  	_ =	swait.ge [sflag:s22], s20  }
0x9f: {  	s4 =	ssub.s32 $0x0, s20;
	[sflag:s22] =	ssyncset.done $0x0  }
0xa0: {  	[sflag:s22] =	ssyncadd.s32 s4;
	_ =	sdelay $0x1  }
0xa1: {  	s23 =	simm.s32 $0x1B8B  }
0xa2: {  	_ =	swait.ge [sflag:s23], $0x1  }
0xa3: {  	[sflag:s23] =	ssyncset.done $0x0  }
0xa4: {  	s25 =	simm.s32 $0x1B8E;
	s24 =	sld [smem:$0x3FFE];
	[sflag:s23] =	ssyncadd.s32 $0xFFFFFFFF  }
0xa5: {  	s26 =	simm.s32 $execute0_lowered;
	[smem:$0x3FD2] =	sst s25  }
0xa6: {  	s5 =	sshll.u32 s26, $0x1;
	_ =	strace $0x80000049;
	[dreg:$0x1] =	wrdreg $0xFFFFFFFF  }
0xa7: {  	s28 =	simm.s32 $_size_execute0_lowered;
	s3 =	sadd.s32 s3, s5;
	[dreg:$0x0] =	wrdreg $0x0  }
0xa8: {  	s5 =	sshll.u32 s28, $0x1;
	[dreg:$0x2] =	wrdreg s3  }
0xa9: {  	[dreg:$0x3] =	wrdreg s5  }
0xaa: {  	[dreg:$0x4] =	wrdreg $0xC0  }
0xab: {  	_ =	task [dreg:s7], $0x5FFFF  }
0xac: {  	[dreg:$0x1] =	wrdreg $0xFFFFFFFF  }
0xad: {  	[dreg:$0x0] =	wrdreg $0x60  }
0xae: {  	[dreg:$0x2] =	wrdreg s24  }
0xaf: {  	[dreg:$0x3] =	wrdreg s2  }
0xb0: {  	[dreg:$0x4] =	wrdreg $0x9  }
0xb1: {  	_ =	task.clear_ibuf [dreg:s7], $0x5FFFF;
	_ =	strace $0x90000049  }
0xb2: {  	s29 =	simm.s32 $0x9;
	_ =	strace $0x8000004B  }
0xb3: {  	_ =	swait.ge [sflag:s29], $0x1  }
0xb4: {  	[sflag:s29] =	ssyncadd.s32 $0xFFFFFFFF  }
0xb5: {  	_ =	strace $0x9000004B  }
0xb6: {  	_ =	sfence  }
0xb7: {  	s30 =	sld [smem:$0x0];
	_ =	sdelay $0x2  }
0xb8: {  	s31 =	sshll.u32 s1, $0xD;
	s1 =	sshrl.u32 s1, $0x2  }
0xb9: {  	s3 =	sand.u32 $0x4000, s31;
	s1 =	sadd.s32 s1, s30  }
0xba: {  	s0 =	sor.u32 s3, s0;
	s1 =	sshll.u32 s1, $0x11  }
0xbb: {  	s0 =	sor.u32 s1, s0  }
0xbc: {  	s0 =	sadd.s32 $0x8F2B, s0  }
0xbd: {  	[sflag:s0] =	ssyncadd.remote.s32 $0x1  }
0xbe: {  	_ =	sfence.sel $0xFFFF  }
0xbf: {  	[dreg:$0x0] =	wrdreg $0xFFFFFFFF;
	(pc) =	sbr.abs _section_cstart, $3  }
0xc0: {  	[dreg:$0x1] =	wrdreg $0xFFFFFFFF  }
0xc1: {  	_ =	task.clear_ibuf [dreg:s7], $0x2FFFF;
	_ =	strace $0x9FFFFFFF  }
0xc2: {  	(tm) =	ssettm $0x7FFFFFFF  }
0xc3: {  	_ =	shalt  }
tec
execute0_lowered:
.L_overlay_start_1:
0x0: {  	(tag) =	ssettag $0x1  }
0x1: {  	s0 =	rddreg [dreg:$0x0]  }
0x2: {  	s7 =	rddreg [dreg:$0x1]  }
0x3: {  	s1 =	simm.s32 $0x0;
	s4 =	srdreg.scid;
	s2 =	stileid.u32  }
0x4: {  	s20 =	simm.s32 $0x2880;
	s21 =	simm.s32 $0x3080;
	s22 =	simm.s32 $0x3880  }
0x5: {  	s23 =	simm.s32 $0x4080;
	s28 =	simm.s32 $0x6080;
	s29 =	simm.s32 $0x6880  }
0x6: {  	s30 =	simm.s32 $0x7080;
	s31 =	simm.s32 $0x7880;
	[smem:$0x7FF] =	sst s1  }
0x7: {  	s3 =	sadd.s32 $0xC2000, s0;
	s8 =	sadd.s32 $0x1C00, s0;
	s4 =	sand.u32 $0x1, s4  }
0x8: {  	s5 =	sshll.u32 s2, $0x1;
	s12 =	sadd.s32 $0x1E00, s0;
	s13 =	sadd.s32 $0x2000, s0  }
0x9: {  	p0 =	slt.u32 s2, $0x8;
	_ =	strace $0x8000004A;
	s6 =	ssub.s32 $0x2, s4  }
0xa: {  	s5 =	sand.u32 $0xE, s5;
	s13 =	smov.u32 @p0 s7;
	s12 =	smov.u32 @p0 s8  }
0xb: {  	s9 =	sshrl.u32 s6, $0x1;
	s10 =	sor.u32 s4, s5;
	s4 =	sadd.s32 $0xC2100, s0  }
0xc: {  	s5 =	sadd.s32 $0xC2200, s0;
	s9 =	ssub.s32 s6, s9;
	s11 =	sshll.u32 s10, $0x7  }
0xd: {  	s14 =	sshll.u32 s10, $0x4;
	s6 =	sadd.s32 $0xC2300, s0;
	s24 =	sshll.u32 s10, $0xE  }
0xe: {  	s25 =	sor.u32 $0x20, s11;
	s16 =	sor.u32 $0x40, s11;
	s11 =	sor.u32 $0x60, s11  }
0xf: {  	s7 =	smax.u32 s9, $0x1;
	s0 =	sadd.s32 s13, s24;
	s8 =	sadd.s32 s12, s14  }
0x10: {  	s14 =	simm.s32 $0x2;
	s24 =	simm.s32 $0x4880;
	s15 =	sshrl.u32 s25, $0x3  }
0x11: {  	s10 =	sshll.u32 s25, $0x7;
	s17 =	sshrl.u32 s16, $0x3;
	s16 =	sshll.u32 s16, $0x7  }
0x12: {  	s18 =	sshrl.u32 s11, $0x3;
	s19 =	sshll.u32 s11, $0x7;
	[dreg:$0x3] =	wrdreg s0  }
0x13: {  	s25 =	simm.s32 $0x5080;
	s0 =	simm.s32 $0x1;
	s26 =	sadd.s32 s12, s15  }
0x14: {  	s9 =	sadd.s32 s13, s10;
	s10 =	sadd.s32 s12, s17;
	s11 =	sadd.s32 s13, s16  }
0x15: {  	v2 =	vlaneseq.u32;
	s12 =	sadd.s32 s12, s18;
	s13 =	sadd.s32 s13, s19;
	s15 =	simm.s32 $0x80  }
0x16: {  	vm0 =	vmmov $0xffff;
	v1 =	vshrl.u32 v2, $0x3;
	s16 =	simm.s32 $0x880;
	s17 =	simm.s32 $0x1080;
	s18 =	simm.s32 $0x1880  }
0x17: {  	v0 =	vand.u32 $0x7, v2;
	v2 =	vor.u32 $0x8, v2;
	v1 =	vmul.u32 $0x8, v1;
	s19 =	simm.s32 $0x2080;
	[dreg:$0x4] =	wrdreg s26;
	s26 =	simm.s32 $0x5880  }
.LBB2_1:
0x18: {  	[tilespmem:s1], [sflag:$0x2] =	stream.linear.gather [hbm4b:s8+s1], $0x20, $0x38;
	[tilespmem:$0x8080] =	vst v63  }
0x19: {  	_ =	swait.ge [sflag:s14], $0x20  }
0x1a: {  	[sflag:s14] =	ssyncset.done $0x0  }
0x1b: {  	[sflag:s14] =	ssyncadd.s32 $0xFFFFFFE0  }
0x1c: {  	v3 =	vld [tilespmem:$0x0];
	_ =	sdelay $0x4  }
0x1d: {  	v4 =	vshll.u32 v3, $0x3  }
0x1e: {  	v3 =	vand.u32 $0x7, v3;
	v4 =	vand.u32 $0xFFFFFFC0, v4  }
0x1f: {  	v3 =	vor.u32 v3, v4  }
0x20: {  	v4 =	vperm.xlane v3, v0;
	_ =	sdelay $0x1  }
0x21: {  	v4 =	vadd.s32 v1, v4;
	_ =	sdelay $0x4  }
0x22: {  	[tilespmem:s15], [sflag:$0x1] =	stream.indirect_vreg.gather [hbm4b:s3+s1], $0x80, v4, vm0, $0xb8;
	[tilespmem:$0x8080] =	vst v63  }
0x23: {  	v3 =	vperm.xlane v3, v2  }
0x24: {  	[tilespmem:s16], [sflag:$0x1] =	stream.indirect_vreg.gather [hbm4b:s4+s1], $0x80, v4, vm0, $0xb8;
	[tilespmem:$0x8080] =	vst v63  }
0x25: {  	v3 =	vadd.s32 v1, v3  }
0x26: {  	[tilespmem:s17], [sflag:$0x1] =	stream.indirect_vreg.gather [hbm4b:s5+s1], $0x80, v4, vm0, $0xb8;
	[tilespmem:$0x8080] =	vst v63  }
0x27: {  	_ = 	snop  }
0x28: {  	[tilespmem:s18], [sflag:$0x1] =	stream.indirect_vreg.gather [hbm4b:s6+s1], $0x80, v4, vm0, $0xb8;
	[tilespmem:$0x8080] =	vst v63  }
0x29: {  	_ = 	snop  }
0x2a: {  	[tilespmem:s19], [sflag:$0x1] =	stream.indirect_vreg.gather [hbm4b:s3+s1], $0x80, v3, vm0, $0xb8;
	[tilespmem:$0x8080] =	vst v63  }
0x2b: {  	_ = 	snop  }
0x2c: {  	[tilespmem:s20], [sflag:$0x1] =	stream.indirect_vreg.gather [hbm4b:s4+s1], $0x80, v3, vm0, $0xb8;
	[tilespmem:$0x8080] =	vst v63  }
0x2d: {  	_ = 	snop  }
0x2e: {  	[tilespmem:s21], [sflag:$0x1] =	stream.indirect_vreg.gather [hbm4b:s5+s1], $0x80, v3, vm0, $0xb8;
	[tilespmem:$0x8080] =	vst v63  }
0x2f: {  	_ = 	snop  }
0x30: {  	[tilespmem:s22], [sflag:$0x1] =	stream.indirect_vreg.gather [hbm4b:s6+s1], $0x80, v3, vm0, $0xb8;
	[tilespmem:$0x8080] =	vst v63  }
0x31: {  	v3 =	vld [tilespmem:$0x10];
	_ =	sdelay $0x4  }
0x32: {  	v57 =	vshll.u32 v3, $0x3  }
0x33: {  	v3 =	vand.u32 $0x7, v3;
	v4 =	vand.u32 $0xFFFFFFC0, v57  }
0x34: {  	v3 =	vor.u32 v3, v4  }
0x35: {  	v4 =	vperm.xlane v3, v0;
	_ =	sdelay $0x1  }
0x36: {  	v4 =	vadd.s32 v1, v4;
	_ =	sdelay $0x4  }
0x37: {  	[tilespmem:s23], [sflag:$0x1] =	stream.indirect_vreg.gather [hbm4b:s3+s1], $0x80, v4, vm0, $0xb8;
	[tilespmem:$0x8080] =	vst v63  }
0x38: {  	v3 =	vperm.xlane v3, v2  }
0x39: {  	[tilespmem:s24], [sflag:$0x1] =	stream.indirect_vreg.gather [hbm4b:s4+s1], $0x80, v4, vm0, $0xb8;
	[tilespmem:$0x8080] =	vst v63  }
0x3a: {  	v3 =	vadd.s32 v1, v3  }
0x3b: {  	[tilespmem:s25], [sflag:$0x1] =	stream.indirect_vreg.gather [hbm4b:s5+s1], $0x80, v4, vm0, $0xb8;
	[tilespmem:$0x8080] =	vst v63  }
0x3c: {  	_ = 	snop  }
0x3d: {  	[tilespmem:s26], [sflag:$0x1] =	stream.indirect_vreg.gather [hbm4b:s6+s1], $0x80, v4, vm0, $0xb8;
	[tilespmem:$0x8080] =	vst v63  }
0x3e: {  	_ = 	snop  }
0x3f: {  	[tilespmem:s28], [sflag:$0x1] =	stream.indirect_vreg.gather [hbm4b:s3+s1], $0x80, v3, vm0, $0xb8;
	[tilespmem:$0x8080] =	vst v63  }
0x40: {  	_ = 	snop  }
0x41: {  	[tilespmem:s29], [sflag:$0x1] =	stream.indirect_vreg.gather [hbm4b:s4+s1], $0x80, v3, vm0, $0xb8;
	[tilespmem:$0x8080] =	vst v63  }
0x42: {  	_ = 	snop  }
0x43: {  	[tilespmem:s30], [sflag:$0x1] =	stream.indirect_vreg.gather [hbm4b:s5+s1], $0x80, v3, vm0, $0xb8;
	[tilespmem:$0x8080] =	vst v63  }
0x44: {  	_ = 	snop  }
0x45: {  	[tilespmem:s31], [sflag:$0x1] =	stream.indirect_vreg.gather [hbm4b:s6+s1], $0x80, v3, vm0, $0xb8;
	[tilespmem:$0x8080] =	vst v63  }
0x46: {  	_ =	swait.ge [sflag:s0], $0x8000  }
0x47: {  	[sflag:s0] =	ssyncset.done $0x0  }
0x48: {  	s2 =	rddreg [dreg:$0x3];
	[sflag:s0] =	ssyncadd.s32 $0xFFFF8000  }
0x49: {  	[hbm4b:s2+s1] =	stream.linear.scatter [tilespmem:s15], [sflag:$0x2], $0x8000, $0x38;
	[tilespmem:$0x8080] =	vst v63  }
0x4a: {  	_ =	swait.ge [sflag:s14], $0x8000  }
0x4b: {  	[sflag:s14] =	ssyncset.done $0x0  }
0x4c: {  	s2 =	rddreg [dreg:$0x4];
	[sflag:s14] =	ssyncadd.s32 $0xFFFF8000  }
0x4d: {  	[tilespmem:s1], [sflag:$0x2] =	stream.linear.gather [hbm4b:s2+s1], $0x20, $0x38;
	[tilespmem:$0x8080] =	vst v63  }
0x4e: {  	_ =	swait.ge [sflag:s14], $0x20  }
0x4f: {  	[sflag:s14] =	ssyncset.done $0x0  }
0x50: {  	[sflag:s14] =	ssyncadd.s32 $0xFFFFFFE0  }
0x51: {  	v3 =	vld [tilespmem:$0x0];
	_ =	sdelay $0x4  }
0x52: {  	v58 =	vshll.u32 v3, $0x3  }
0x53: {  	v3 =	vand.u32 $0x7, v3;
	v4 =	vand.u32 $0xFFFFFFC0, v58  }
0x54: {  	v3 =	vor.u32 v3, v4  }
0x55: {  	v4 =	vperm.xlane v3, v0;
	_ =	sdelay $0x1  }
0x56: {  	v4 =	vadd.s32 v1, v4;
	_ =	sdelay $0x4  }
0x57: {  	[tilespmem:s15], [sflag:$0x1] =	stream.indirect_vreg.gather [hbm4b:s3+s1], $0x80, v4, vm0, $0xb8;
	[tilespmem:$0x8080] =	vst v63  }
0x58: {  	v3 =	vperm.xlane v3, v2  }
0x59: {  	[tilespmem:s16], [sflag:$0x1] =	stream.indirect_vreg.gather [hbm4b:s4+s1], $0x80, v4, vm0, $0xb8;
	[tilespmem:$0x8080] =	vst v63  }
0x5a: {  	v3 =	vadd.s32 v1, v3  }
0x5b: {  	[tilespmem:s17], [sflag:$0x1] =	stream.indirect_vreg.gather [hbm4b:s5+s1], $0x80, v4, vm0, $0xb8;
	[tilespmem:$0x8080] =	vst v63  }
0x5c: {  	_ = 	snop  }
0x5d: {  	[tilespmem:s18], [sflag:$0x1] =	stream.indirect_vreg.gather [hbm4b:s6+s1], $0x80, v4, vm0, $0xb8;
	[tilespmem:$0x8080] =	vst v63  }
0x5e: {  	_ = 	snop  }
0x5f: {  	[tilespmem:s19], [sflag:$0x1] =	stream.indirect_vreg.gather [hbm4b:s3+s1], $0x80, v3, vm0, $0xb8;
	[tilespmem:$0x8080] =	vst v63  }
0x60: {  	_ = 	snop  }
0x61: {  	[tilespmem:s20], [sflag:$0x1] =	stream.indirect_vreg.gather [hbm4b:s4+s1], $0x80, v3, vm0, $0xb8;
	[tilespmem:$0x8080] =	vst v63  }
0x62: {  	_ = 	snop  }
0x63: {  	[tilespmem:s21], [sflag:$0x1] =	stream.indirect_vreg.gather [hbm4b:s5+s1], $0x80, v3, vm0, $0xb8;
	[tilespmem:$0x8080] =	vst v63  }
0x64: {  	_ = 	snop  }
0x65: {  	[tilespmem:s22], [sflag:$0x1] =	stream.indirect_vreg.gather [hbm4b:s6+s1], $0x80, v3, vm0, $0xb8;
	[tilespmem:$0x8080] =	vst v63  }
0x66: {  	v3 =	vld [tilespmem:$0x10];
	_ =	sdelay $0x4  }
0x67: {  	v59 =	vshll.u32 v3, $0x3  }
0x68: {  	v3 =	vand.u32 $0x7, v3;
	v4 =	vand.u32 $0xFFFFFFC0, v59  }
0x69: {  	v3 =	vor.u32 v3, v4  }
0x6a: {  	v4 =	vperm.xlane v3, v0;
	_ =	sdelay $0x1  }
0x6b: {  	v4 =	vadd.s32 v1, v4;
	_ =	sdelay $0x4  }
0x6c: {  	[tilespmem:s23], [sflag:$0x1] =	stream.indirect_vreg.gather [hbm4b:s3+s1], $0x80, v4, vm0, $0xb8;
	[tilespmem:$0x8080] =	vst v63  }
0x6d: {  	v3 =	vperm.xlane v3, v2  }
0x6e: {  	[tilespmem:s24], [sflag:$0x1] =	stream.indirect_vreg.gather [hbm4b:s4+s1], $0x80, v4, vm0, $0xb8;
	[tilespmem:$0x8080] =	vst v63  }
0x6f: {  	v3 =	vadd.s32 v1, v3  }
0x70: {  	[tilespmem:s25], [sflag:$0x1] =	stream.indirect_vreg.gather [hbm4b:s5+s1], $0x80, v4, vm0, $0xb8;
	[tilespmem:$0x8080] =	vst v63  }
0x71: {  	_ = 	snop  }
0x72: {  	[tilespmem:s26], [sflag:$0x1] =	stream.indirect_vreg.gather [hbm4b:s6+s1], $0x80, v4, vm0, $0xb8;
	[tilespmem:$0x8080] =	vst v63  }
0x73: {  	_ = 	snop  }
0x74: {  	[tilespmem:s28], [sflag:$0x1] =	stream.indirect_vreg.gather [hbm4b:s3+s1], $0x80, v3, vm0, $0xb8;
	[tilespmem:$0x8080] =	vst v63  }
0x75: {  	_ = 	snop  }
0x76: {  	[tilespmem:s29], [sflag:$0x1] =	stream.indirect_vreg.gather [hbm4b:s4+s1], $0x80, v3, vm0, $0xb8;
	[tilespmem:$0x8080] =	vst v63  }
0x77: {  	_ = 	snop  }
0x78: {  	[tilespmem:s30], [sflag:$0x1] =	stream.indirect_vreg.gather [hbm4b:s5+s1], $0x80, v3, vm0, $0xb8;
	[tilespmem:$0x8080] =	vst v63  }
0x79: {  	_ = 	snop  }
0x7a: {  	[tilespmem:s31], [sflag:$0x1] =	stream.indirect_vreg.gather [hbm4b:s6+s1], $0x80, v3, vm0, $0xb8;
	[tilespmem:$0x8080] =	vst v63  }
0x7b: {  	_ =	swait.ge [sflag:s0], $0x8000  }
0x7c: {  	[sflag:s0] =	ssyncset.done $0x0  }
0x7d: {  	[sflag:s0] =	ssyncadd.s32 $0xFFFF8000  }
0x7e: {  	[hbm4b:s9+s1] =	stream.linear.scatter [tilespmem:s15], [sflag:$0x2], $0x8000, $0x38;
	[tilespmem:$0x8080] =	vst v63  }
0x7f: {  	_ =	swait.ge [sflag:s14], $0x8000  }
0x80: {  	[sflag:s14] =	ssyncset.done $0x0  }
0x81: {  	[sflag:s14] =	ssyncadd.s32 $0xFFFF8000  }
0x82: {  	[tilespmem:s1], [sflag:$0x2] =	stream.linear.gather [hbm4b:s10+s1], $0x20, $0x38;
	[tilespmem:$0x8080] =	vst v63  }
0x83: {  	_ =	swait.ge [sflag:s14], $0x20  }
0x84: {  	[sflag:s14] =	ssyncset.done $0x0  }
0x85: {  	[sflag:s14] =	ssyncadd.s32 $0xFFFFFFE0  }
0x86: {  	v3 =	vld [tilespmem:$0x0];
	_ =	sdelay $0x4  }
0x87: {  	v60 =	vshll.u32 v3, $0x3  }
0x88: {  	v3 =	vand.u32 $0x7, v3;
	v4 =	vand.u32 $0xFFFFFFC0, v60  }
0x89: {  	v3 =	vor.u32 v3, v4  }
0x8a: {  	v4 =	vperm.xlane v3, v0;
	_ =	sdelay $0x1  }
0x8b: {  	v4 =	vadd.s32 v1, v4;
	_ =	sdelay $0x4  }
0x8c: {  	[tilespmem:s15], [sflag:$0x1] =	stream.indirect_vreg.gather [hbm4b:s3+s1], $0x80, v4, vm0, $0xb8;
	[tilespmem:$0x8080] =	vst v63  }
0x8d: {  	v3 =	vperm.xlane v3, v2  }
0x8e: {  	[tilespmem:s16], [sflag:$0x1] =	stream.indirect_vreg.gather [hbm4b:s4+s1], $0x80, v4, vm0, $0xb8;
	[tilespmem:$0x8080] =	vst v63  }
0x8f: {  	v3 =	vadd.s32 v1, v3  }
0x90: {  	[tilespmem:s17], [sflag:$0x1] =	stream.indirect_vreg.gather [hbm4b:s5+s1], $0x80, v4, vm0, $0xb8;
	[tilespmem:$0x8080] =	vst v63  }
0x91: {  	_ = 	snop  }
0x92: {  	[tilespmem:s18], [sflag:$0x1] =	stream.indirect_vreg.gather [hbm4b:s6+s1], $0x80, v4, vm0, $0xb8;
	[tilespmem:$0x8080] =	vst v63  }
0x93: {  	_ = 	snop  }
0x94: {  	[tilespmem:s19], [sflag:$0x1] =	stream.indirect_vreg.gather [hbm4b:s3+s1], $0x80, v3, vm0, $0xb8;
	[tilespmem:$0x8080] =	vst v63  }
0x95: {  	_ = 	snop  }
0x96: {  	[tilespmem:s20], [sflag:$0x1] =	stream.indirect_vreg.gather [hbm4b:s4+s1], $0x80, v3, vm0, $0xb8;
	[tilespmem:$0x8080] =	vst v63  }
0x97: {  	_ = 	snop  }
0x98: {  	[tilespmem:s21], [sflag:$0x1] =	stream.indirect_vreg.gather [hbm4b:s5+s1], $0x80, v3, vm0, $0xb8;
	[tilespmem:$0x8080] =	vst v63  }
0x99: {  	_ = 	snop  }
0x9a: {  	[tilespmem:s22], [sflag:$0x1] =	stream.indirect_vreg.gather [hbm4b:s6+s1], $0x80, v3, vm0, $0xb8;
	[tilespmem:$0x8080] =	vst v63  }
0x9b: {  	v3 =	vld [tilespmem:$0x10];
	_ =	sdelay $0x4  }
0x9c: {  	v61 =	vshll.u32 v3, $0x3  }
0x9d: {  	v3 =	vand.u32 $0x7, v3;
	v4 =	vand.u32 $0xFFFFFFC0, v61  }
0x9e: {  	v3 =	vor.u32 v3, v4  }
0x9f: {  	v4 =	vperm.xlane v3, v0;
	_ =	sdelay $0x1  }
0xa0: {  	v4 =	vadd.s32 v1, v4;
	_ =	sdelay $0x4  }
0xa1: {  	[tilespmem:s23], [sflag:$0x1] =	stream.indirect_vreg.gather [hbm4b:s3+s1], $0x80, v4, vm0, $0xb8;
	[tilespmem:$0x8080] =	vst v63  }
0xa2: {  	v3 =	vperm.xlane v3, v2  }
0xa3: {  	[tilespmem:s24], [sflag:$0x1] =	stream.indirect_vreg.gather [hbm4b:s4+s1], $0x80, v4, vm0, $0xb8;
	[tilespmem:$0x8080] =	vst v63  }
0xa4: {  	v3 =	vadd.s32 v1, v3  }
0xa5: {  	[tilespmem:s25], [sflag:$0x1] =	stream.indirect_vreg.gather [hbm4b:s5+s1], $0x80, v4, vm0, $0xb8;
	[tilespmem:$0x8080] =	vst v63  }
0xa6: {  	_ = 	snop  }
0xa7: {  	[tilespmem:s26], [sflag:$0x1] =	stream.indirect_vreg.gather [hbm4b:s6+s1], $0x80, v4, vm0, $0xb8;
	[tilespmem:$0x8080] =	vst v63  }
0xa8: {  	_ = 	snop  }
0xa9: {  	[tilespmem:s28], [sflag:$0x1] =	stream.indirect_vreg.gather [hbm4b:s3+s1], $0x80, v3, vm0, $0xb8;
	[tilespmem:$0x8080] =	vst v63  }
0xaa: {  	_ = 	snop  }
0xab: {  	[tilespmem:s29], [sflag:$0x1] =	stream.indirect_vreg.gather [hbm4b:s4+s1], $0x80, v3, vm0, $0xb8;
	[tilespmem:$0x8080] =	vst v63  }
0xac: {  	_ = 	snop  }
0xad: {  	[tilespmem:s30], [sflag:$0x1] =	stream.indirect_vreg.gather [hbm4b:s5+s1], $0x80, v3, vm0, $0xb8;
	[tilespmem:$0x8080] =	vst v63  }
0xae: {  	_ = 	snop  }
0xaf: {  	[tilespmem:s31], [sflag:$0x1] =	stream.indirect_vreg.gather [hbm4b:s6+s1], $0x80, v3, vm0, $0xb8;
	[tilespmem:$0x8080] =	vst v63  }
0xb0: {  	_ =	swait.ge [sflag:s0], $0x8000  }
0xb1: {  	[sflag:s0] =	ssyncset.done $0x0  }
0xb2: {  	[sflag:s0] =	ssyncadd.s32 $0xFFFF8000  }
0xb3: {  	[hbm4b:s11+s1] =	stream.linear.scatter [tilespmem:s15], [sflag:$0x2], $0x8000, $0x38;
	[tilespmem:$0x8080] =	vst v63  }
0xb4: {  	_ =	swait.ge [sflag:s14], $0x8000  }
0xb5: {  	[sflag:s14] =	ssyncset.done $0x0  }
0xb6: {  	[sflag:s14] =	ssyncadd.s32 $0xFFFF8000  }
0xb7: {  	[tilespmem:s1], [sflag:$0x2] =	stream.linear.gather [hbm4b:s12+s1], $0x20, $0x38;
	[tilespmem:$0x8080] =	vst v63  }
0xb8: {  	_ =	swait.ge [sflag:s14], $0x20  }
0xb9: {  	[sflag:s14] =	ssyncset.done $0x0  }
0xba: {  	[sflag:s14] =	ssyncadd.s32 $0xFFFFFFE0  }
0xbb: {  	v3 =	vld [tilespmem:$0x0];
	_ =	sdelay $0x4  }
0xbc: {  	v62 =	vshll.u32 v3, $0x3  }
0xbd: {  	v3 =	vand.u32 $0x7, v3;
	v4 =	vand.u32 $0xFFFFFFC0, v62  }
0xbe: {  	v3 =	vor.u32 v3, v4  }
0xbf: {  	v4 =	vperm.xlane v3, v0;
	_ =	sdelay $0x1  }
0xc0: {  	v4 =	vadd.s32 v1, v4;
	_ =	sdelay $0x4  }
0xc1: {  	[tilespmem:s15], [sflag:$0x1] =	stream.indirect_vreg.gather [hbm4b:s3+s1], $0x80, v4, vm0, $0xb8;
	[tilespmem:$0x8080] =	vst v63  }
0xc2: {  	v3 =	vperm.xlane v3, v2  }
0xc3: {  	[tilespmem:s16], [sflag:$0x1] =	stream.indirect_vreg.gather [hbm4b:s4+s1], $0x80, v4, vm0, $0xb8;
	[tilespmem:$0x8080] =	vst v63  }
0xc4: {  	v3 =	vadd.s32 v1, v3  }
0xc5: {  	[tilespmem:s17], [sflag:$0x1] =	stream.indirect_vreg.gather [hbm4b:s5+s1], $0x80, v4, vm0, $0xb8;
	[tilespmem:$0x8080] =	vst v63  }
0xc6: {  	_ = 	snop  }
0xc7: {  	[tilespmem:s18], [sflag:$0x1] =	stream.indirect_vreg.gather [hbm4b:s6+s1], $0x80, v4, vm0, $0xb8;
	[tilespmem:$0x8080] =	vst v63  }
0xc8: {  	_ = 	snop  }
0xc9: {  	[tilespmem:s19], [sflag:$0x1] =	stream.indirect_vreg.gather [hbm4b:s3+s1], $0x80, v3, vm0, $0xb8;
	[tilespmem:$0x8080] =	vst v63  }
0xca: {  	_ = 	snop  }
0xcb: {  	[tilespmem:s20], [sflag:$0x1] =	stream.indirect_vreg.gather [hbm4b:s4+s1], $0x80, v3, vm0, $0xb8;
	[tilespmem:$0x8080] =	vst v63  }
0xcc: {  	_ = 	snop  }
0xcd: {  	[tilespmem:s21], [sflag:$0x1] =	stream.indirect_vreg.gather [hbm4b:s5+s1], $0x80, v3, vm0, $0xb8;
	[tilespmem:$0x8080] =	vst v63  }
0xce: {  	_ = 	snop  }
0xcf: {  	[tilespmem:s22], [sflag:$0x1] =	stream.indirect_vreg.gather [hbm4b:s6+s1], $0x80, v3, vm0, $0xb8;
	[tilespmem:$0x8080] =	vst v63  }
0xd0: {  	v3 =	vld [tilespmem:$0x10];
	_ =	sdelay $0x4  }
0xd1: {  	v63 =	vshll.u32 v3, $0x3  }
0xd2: {  	v3 =	vand.u32 $0x7, v3;
	v4 =	vand.u32 $0xFFFFFFC0, v63  }
0xd3: {  	v3 =	vor.u32 v3, v4  }
0xd4: {  	v4 =	vperm.xlane v3, v0;
	_ =	sdelay $0x1  }
0xd5: {  	v4 =	vadd.s32 v1, v4;
	_ =	sdelay $0x4  }
0xd6: {  	[tilespmem:s23], [sflag:$0x1] =	stream.indirect_vreg.gather [hbm4b:s3+s1], $0x80, v4, vm0, $0xb8;
	[tilespmem:$0x8080] =	vst v63  }
0xd7: {  	v3 =	vperm.xlane v3, v2  }
0xd8: {  	[tilespmem:s24], [sflag:$0x1] =	stream.indirect_vreg.gather [hbm4b:s4+s1], $0x80, v4, vm0, $0xb8;
	[tilespmem:$0x8080] =	vst v63  }
0xd9: {  	v3 =	vadd.s32 v1, v3  }
0xda: {  	[tilespmem:s25], [sflag:$0x1] =	stream.indirect_vreg.gather [hbm4b:s5+s1], $0x80, v4, vm0, $0xb8;
	[tilespmem:$0x8080] =	vst v63  }
0xdb: {  	_ = 	snop  }
0xdc: {  	[tilespmem:s26], [sflag:$0x1] =	stream.indirect_vreg.gather [hbm4b:s6+s1], $0x80, v4, vm0, $0xb8;
	[tilespmem:$0x8080] =	vst v63  }
0xdd: {  	_ = 	snop  }
0xde: {  	[tilespmem:s28], [sflag:$0x1] =	stream.indirect_vreg.gather [hbm4b:s3+s1], $0x80, v3, vm0, $0xb8;
	[tilespmem:$0x8080] =	vst v63  }
0xdf: {  	_ = 	snop  }
0xe0: {  	[tilespmem:s29], [sflag:$0x1] =	stream.indirect_vreg.gather [hbm4b:s4+s1], $0x80, v3, vm0, $0xb8;
	[tilespmem:$0x8080] =	vst v63  }
0xe1: {  	_ = 	snop  }
0xe2: {  	[tilespmem:s30], [sflag:$0x1] =	stream.indirect_vreg.gather [hbm4b:s5+s1], $0x80, v3, vm0, $0xb8;
	[tilespmem:$0x8080] =	vst v63  }
0xe3: {  	_ = 	snop  }
0xe4: {  	[tilespmem:s31], [sflag:$0x1] =	stream.indirect_vreg.gather [hbm4b:s6+s1], $0x80, v3, vm0, $0xb8;
	[tilespmem:$0x8080] =	vst v63  }
0xe5: {  	_ =	swait.ge [sflag:s0], $0x8000  }
0xe6: {  	p0 =	sne.s32 s7, $0x1;
	[sflag:s0] =	ssyncset.done $0x0  }
.Ltmp0:
0xe7: {  	[sflag:s0] =	ssyncadd.s32 $0xFFFF8000;
	(pc) =	sbr.rel @p0 .LBB2_1-.Ltmp0, $4  }
0xe8: {  	[hbm4b:s13+s1] =	stream.linear.scatter [tilespmem:s15], [sflag:$0x2], $0x8000, $0x38;
	[tilespmem:$0x8080] =	vst v63  }
0xe9: {  	_ =	swait.ge [sflag:s14], $0x8000  }
0xea: {  	[sflag:s14] =	ssyncset.done $0x0  }
0xeb: {  	s7 =	sadd.s32 $0xFFFFFFFF, s7;
	[sflag:s14] =	ssyncadd.s32 $0xFFFF8000  }
0xec: {  	_ =	sfence.sel $0x180000  }
0xed: {  	[bflag:$0x0] =	sbarrier.arrive $0xFFFF  }
0xee: {  	_ =	strace $0x9000004A  }
0xef: {  	s0 =	stileid.u32;
	[bflag:$0x2] =	sbarrier.arrive $0xFFFF  }
0xf0: {  	p0 =	sne.s32 s0, $0x0;
	s0 =	rddreg [dreg:$0x2]  }
0xf1: {  	s0 =	sadd.s32 @!p0 $0x100000, s0  }
0xf2: {  	[sflag:s0] =	ssyncadd.tile.s32 @!p0 $0x1;
	_ =	shalt  }
.Lfunc_end2:
_tile_overlayer_lowered:
.L_overlay_start_2:
0xf3: {  	(tag) =	ssettag $0x2  }
0xf4: {  	s0 =	rddreg [dreg:$0x0];
	s2 =	stileid.u32  }
0xf5: {  	s1 =	rddreg [dreg:$0x1];
	p0 =	sne.s32 s2, $0x0  }
0xf6: {  	s3 =	rddreg [dreg:$0x2];
	[bflag:$0x3] =	sbarrier.arrive $0xFFFF;
	s2 =	simm.s32 @!p0 $0x1C02  }
0xf7: {  	[timem:s3], [sflag:s2] =	dma.local @!p0 [hbm:s0], s1  }
0xf8: {  	s0 =	simm.s32 @!p0 $0x2  }
0xf9: {  	_ =	swait.ge @!p0 [sflag:s0], s1  }
0xfa: {  	s1 =	ssub.s32 @!p0 $0x0, s1;
	[sflag:s0] =	ssyncset.done @!p0 $0x0  }
0xfb: {  	[sflag:s0] =	ssyncadd.s32 @!p0 s1  }
0xfc: {  	[bflag:$0x3] =	sbarrier.arrive $0xFFFF  }
0xfd: {  	_ =	shalt  }

// kernel: kernel.9.cloned.1.call-start
scs
__scs_entry_jumppad:
0x0: {  	(pc) =	sbr.rel $0x88, $3  }
0x1: {  	(tag) =	ssettag $0x0;
	lr =	simm.s32 $0x1  }
0x2: {  	[smem:$0x3F98] =	sst lr;
	_ =	strace $0xD0000000  }
0x3: {  	_ = 	snop  }
0x4: {  	_ = 	snop  }
0x5: {  	_ = 	snop  }
0x6: {  	_ = 	snop  }
0x7: {  	_ = 	snop  }
__scs_overlays_trampoline_lowered:
0x8: {  	[smem:$0x3FA7] =	sst s0  }
0x9: {  	[smem:$0x3FA8] =	sst s1  }
0xa: {  	[smem:$0x3FA9] =	sst s2  }
0xb: {  	[smem:$0x3FAA] =	sst s3  }
0xc: {  	[smem:$0x3FAB] =	sst s4  }
0xd: {  	[smem:$0x3FAC] =	sst s5  }
0xe: {  	[smem:$0x3FAD] =	sst s6  }
0xf: {  	[smem:$0x3FAE] =	sst s7  }
0x10: {  	[smem:$0x3FAF] =	sst s8  }
0x11: {  	[smem:$0x3FB0] =	sst s9;
	s0 =	simm.s32 @!p0 $0x0  }
0x12: {  	s1 =	sld [smem:$0x3F96];
	s0 =	simm.s32 @p0 $0x1  }
0x13: {  	[smem:$0x3FB1] =	sst s0;
	s0 =	simm.s32 @!p1 $0x0  }
0x14: {  	s2 =	sld [smem:$0x3F95];
	s0 =	simm.s32 @p1 $0x1  }
0x15: {  	[smem:$0x3FB2] =	sst s0;
	s0 =	simm.s32 @!p2 $0x0  }
0x16: {  	s3 =	sld [smem:$0x3FDB];
	s0 =	simm.s32 @p2 $0x1  }
0x17: {  	s4 =	simm.s32 $0x1BF5;
	[smem:$0x3FB4] =	sst s0  }
0x18: {  	s0 =	sld [smem:$0x3F97];
	_ =	swait.ge [sflag:s4], $0x0  }
0x19: {  	s7 =	sld [smem:$0x3F98]  }
0x1a: {  	s8 =	sadd.s32 $0xFFFFE003, lr  }
0x1b: {  	s9 =	sadd.s32 $0xFFFFFEF7, lr;
	s5 =	simm.s32 $0xFFFFFFFF;
	p2 =	slt.u32 s8, $0xFFFFF086  }
0x1c: {  	p1 =	slt.u32 s9, $0xF7A;
	s5 =	simm.s32 @!p2 $0x0  }
0x1d: {  	s5 =	simm.s32 @p1 $0x1;
	p0 =	seq.s32 s7, s2  }
0x1e: {  	s7 =	smul.u32 @!p0 $0xF7A, s2;
	p2 =	seq.s32 @!p0 s5, $0x0  }
0x1f: {  	s9 =	smul.u32 $0xF7A, s1;
	s8 =	simm.s32 @!p0 $0x1BF5;
	p2 =	por !p2, p0  }
0x20: {  	[sflag:s8] =	ssyncset.s32 @!p0 $0xFFFFF086;
	s6 =	sadd.s32 @!p0 s3, s7;
	s7 =	simm.s32 @!p0 $0x108  }
0x21: {  	s3 =	sadd.s32 s3, s9;
	s6 =	sadd.s32 @!p0 $0x88, s6;
	s7 =	simm.s32 @p2 $0x1082  }
0x22: {  	[simem:s7], [sflag:s8] =	dma.local @!p0 [hbm:s6], $0xF7A  }
0x23: {  	s9 =	sor.u32 $0xD0000000, s2;
	s6 =	simm.s32 $0x108;
	_ =	swait.ge @!p0 [sflag:s8], $0x0  }
0x24: {  	s3 =	sadd.s32 $0x88, s3;
	s6 =	simm.s32 @!p1 $0x1082;
	[sflag:s4] =	ssyncset.s32 $0xFFFFF086  }
0x25: {  	[simem:s6], [sflag:s4] =	dma.local [hbm:s3], $0xF7A  }
0x26: {  	[smem:$0x3F98] =	sst s1;
	(tag) =	ssettag s2;
	_ =	strace s9  }
0x27: {  	s1 =	sld [smem:$0x3FA8]  }
0x28: {  	s2 =	sld [smem:$0x3FA9]  }
0x29: {  	s4 =	sld [smem:$0x3FAB]  }
0x2a: {  	p0 =	seq.s32 s5, $0x0;
	s5 =	sld [smem:$0x3FAC]  }
0x2b: {  	s6 =	sld [smem:$0x3FAD]  }
0x2c: {  	s7 =	sld [smem:$0x3FAE]  }
0x2d: {  	s3 =	simm.s32 $0x108;
	s8 =	sld [smem:$0x3FAF]  }
0x2e: {  	s3 =	simm.s32 @!p0 $0x1082;
	s9 =	sld [smem:$0x3FB0]  }
0x2f: {  	lr =	sadd.s32 s0, s3;
	s0 =	sld [smem:$0x3FA7]  }
0x30: {  	s3 =	sld [smem:$0x3FAA]  }
0x31: {  	[smem:$0x3FB3] =	sst s10  }
0x32: {  	s10 =	sld [smem:$0x3FB1];
	_ =	sdelay $0x3  }
0x33: {  	p0 =	seq.s32 s10, $0x1;
	s10 =	sld [smem:$0x3FB3];
	_ =	sdelay $0x3  }
0x34: {  	[smem:$0x3FB3] =	sst s10  }
0x35: {  	s10 =	sld [smem:$0x3FB2];
	_ =	sdelay $0x3  }
0x36: {  	p1 =	seq.s32 s10, $0x1;
	s10 =	sld [smem:$0x3FB3];
	_ =	sdelay $0x3  }
0x37: {  	[smem:$0x3FB3] =	sst s10  }
0x38: {  	s10 =	sld [smem:$0x3FB4]  }
0x39: {  	_ = 	snop;
	(pc) =	sbr.ind lr, $3  }
0x3a: {  	_ = 	snop  }
0x3b: {  	_ = 	snop  }
0x3c: {  	p2 =	seq.s32 s10, $0x1;
	s10 =	sld [smem:$0x3FB3]  }
0x3d: {  	_ =	shalt  }
0x3e: {  	_ =	shalt  }
0x3f: {  	_ =	shalt  }
0x40: {  	_ =	shalt  }
0x41: {  	_ =	shalt  }
0x42: {  	_ =	shalt  }
0x43: {  	_ =	shalt  }
0x44: {  	_ =	shalt  }
0x45: {  	_ =	shalt  }
0x46: {  	_ =	shalt  }
0x47: {  	_ =	shalt  }
0x48: {  	_ =	shalt  }
0x49: {  	_ =	shalt  }
0x4a: {  	_ =	shalt  }
0x4b: {  	_ =	shalt  }
0x4c: {  	_ =	shalt  }
0x4d: {  	_ =	shalt  }
0x4e: {  	_ =	shalt  }
0x4f: {  	_ =	shalt  }
0x50: {  	_ =	shalt  }
0x51: {  	_ =	shalt  }
0x52: {  	_ =	shalt  }
0x53: {  	_ =	shalt  }
0x54: {  	_ =	shalt  }
0x55: {  	_ =	shalt  }
0x56: {  	_ =	shalt  }
0x57: {  	_ =	shalt  }
0x58: {  	_ =	shalt  }
0x59: {  	_ =	shalt  }
0x5a: {  	_ =	shalt  }
0x5b: {  	_ =	shalt  }
0x5c: {  	_ =	shalt  }
0x5d: {  	_ =	shalt  }
0x5e: {  	_ =	shalt  }
0x5f: {  	_ =	shalt  }
0x60: {  	_ =	shalt  }
0x61: {  	_ =	shalt  }
0x62: {  	_ =	shalt  }
0x63: {  	_ =	shalt  }
0x64: {  	_ =	shalt  }
0x65: {  	_ =	shalt  }
0x66: {  	_ =	shalt  }
0x67: {  	_ =	shalt  }
0x68: {  	_ =	shalt  }
0x69: {  	_ =	shalt  }
0x6a: {  	_ =	shalt  }
0x6b: {  	_ =	shalt  }
0x6c: {  	_ =	shalt  }
0x6d: {  	_ =	shalt  }
0x6e: {  	_ =	shalt  }
0x6f: {  	_ =	shalt  }
0x70: {  	_ =	shalt  }
0x71: {  	_ =	shalt  }
0x72: {  	_ =	shalt  }
0x73: {  	_ =	shalt  }
0x74: {  	_ =	shalt  }
0x75: {  	_ =	shalt  }
0x76: {  	_ =	shalt  }
0x77: {  	_ =	shalt  }
0x78: {  	_ =	shalt  }
0x79: {  	_ =	shalt  }
0x7a: {  	_ =	shalt  }
0x7b: {  	_ =	shalt  }
0x7c: {  	_ =	shalt  }
0x7d: {  	_ =	shalt  }
0x7e: {  	_ =	shalt  }
0x7f: {  	_ =	shalt  }
0x80: {  	_ =	shalt  }
0x81: {  	_ =	shalt  }
0x82: {  	_ =	shalt  }
0x83: {  	_ =	shalt  }
0x84: {  	_ =	shalt  }
0x85: {  	_ =	shalt  }
0x86: {  	_ =	shalt  }
0x87: {  	_ =	shalt  }
.Lfunc_end0:
.L_simem_size_0:
called_computation_lowered:
.L_overlay_start_0:
0x88: {  	s2 =	sld [smem:$0x3FD9]  }
0x89: {  	s3 =	sld [smem:$0x3FFE];
	_ =	sdelay $0x1  }
0x8a: {  	s1 =	srdreg.scid  }
0x8b: {  	s0 =	sand.u32 $0x1, s1  }
0x8c: {  	s17 =	sshll.u32 s0, $0xA;
	s2 =	sadd.s32 s3, s2  }
0x8d: {  	s2 =	sadd.s32 s2, s17  }
0x8e: {  	[smem:$0x3FBF] =	sst s2  }
0x8f: {  	_ = 	snop  }
0x90: {  	s2 =	sld [smem:$0x3FC9];
	(tm) =	ssettm $0x1  }
0x91: {  	s18 =	sld [smem:$0x3FFB];
	_ =	sdelay $0x3  }
0x92: {  	_ =	strace s18  }
0x93: {  	s3 =	sld [smem:$0x3FFC];
	_ =	sdelay $0x3  }
0x94: {  	_ =	strace s3  }
0x95: {  	s3 =	sld [smem:$0x3FFD];
	_ =	sdelay $0x3  }
0x96: {  	_ =	strace s3  }
0x97: {  	_ =	strace $0x8FFFFFFF  }
0x98: {  	s19 =	sld [smem:$0x3FDB];
	_ =	sdelay $0x1  }
0x99: {  	s4 =	simm.s32 $_scs_section_size  }
0x9a: {  	s5 =	simm.s32 $_size__tile_overlayer_lowered;
	s6 =	simm.s32 $_tile_overlayer_lowered  }
0x9b: {  	s22 =	simm.s32 $0x1BFF;
	s21 =	sshll.u32 s6, $0x1;
	s3 =	sadd.s32 s4, s19  }
0x9c: {  	s7 =	simm.s32 $0x0;
	s20 =	sshll.u32 s5, $0x1;
	s5 =	sadd.s32 s21, s3  }
0x9d: {  	[timem:s7], [sflag:s22] =	dma.local [hbm:s5], s20  }
0x9e: {  	_ =	swait.ge [sflag:s22], s20  }
0x9f: {  	s4 =	ssub.s32 $0x0, s20;
	[sflag:s22] =	ssyncset.done $0x0  }
0xa0: {  	[sflag:s22] =	ssyncadd.s32 s4;
	_ =	sdelay $0x1  }
0xa1: {  	s23 =	simm.s32 $0x1B8B  }
0xa2: {  	_ =	swait.ge [sflag:s23], $0x1  }
0xa3: {  	[sflag:s23] =	ssyncset.done $0x0  }
0xa4: {  	s25 =	simm.s32 $0x1B8E;
	s24 =	sld [smem:$0x3FFE];
	[sflag:s23] =	ssyncadd.s32 $0xFFFFFFFF  }
0xa5: {  	s26 =	simm.s32 $execute0_lowered;
	[smem:$0x3FD2] =	sst s25  }
0xa6: {  	s5 =	sshll.u32 s26, $0x1;
	_ =	strace $0x80000046;
	[dreg:$0x1] =	wrdreg $0xFFFFFFFF  }
0xa7: {  	s28 =	simm.s32 $_size_execute0_lowered;
	s3 =	sadd.s32 s3, s5;
	[dreg:$0x0] =	wrdreg $0x0  }
0xa8: {  	s5 =	sshll.u32 s28, $0x1;
	[dreg:$0x2] =	wrdreg s3  }
0xa9: {  	[dreg:$0x3] =	wrdreg s5  }
0xaa: {  	[dreg:$0x4] =	wrdreg $0xC0  }
0xab: {  	_ =	task [dreg:s7], $0x5FFFF  }
0xac: {  	[dreg:$0x1] =	wrdreg $0xFFFFFFFF  }
0xad: {  	[dreg:$0x0] =	wrdreg $0x60  }
0xae: {  	[dreg:$0x2] =	wrdreg s2  }
0xaf: {  	[dreg:$0x3] =	wrdreg s24  }
0xb0: {  	[dreg:$0x4] =	wrdreg $0x9  }
0xb1: {  	_ =	task.clear_ibuf [dreg:s7], $0x5FFFF;
	_ =	strace $0x90000046  }
0xb2: {  	s29 =	simm.s32 $0x9;
	_ =	strace $0x80000048  }
0xb3: {  	_ =	swait.ge [sflag:s29], $0x1  }
0xb4: {  	[sflag:s29] =	ssyncadd.s32 $0xFFFFFFFF  }
0xb5: {  	_ =	strace $0x90000048  }
0xb6: {  	_ =	sfence  }
0xb7: {  	s30 =	sld [smem:$0x0];
	_ =	sdelay $0x2  }
0xb8: {  	s31 =	sshll.u32 s1, $0xD;
	s1 =	sshrl.u32 s1, $0x2  }
0xb9: {  	s3 =	sand.u32 $0x4000, s31;
	s1 =	sadd.s32 s1, s30  }
0xba: {  	s0 =	sor.u32 s3, s0;
	s1 =	sshll.u32 s1, $0x11  }
0xbb: {  	s0 =	sor.u32 s1, s0  }
0xbc: {  	s0 =	sadd.s32 $0x8F2B, s0  }
0xbd: {  	[sflag:s0] =	ssyncadd.remote.s32 $0x1  }
0xbe: {  	_ =	sfence.sel $0xFFFF  }
0xbf: {  	[dreg:$0x0] =	wrdreg $0xFFFFFFFF;
	(pc) =	sbr.abs _section_cstart, $3  }
0xc0: {  	[dreg:$0x1] =	wrdreg $0xFFFFFFFF  }
0xc1: {  	_ =	task.clear_ibuf [dreg:s7], $0x2FFFF;
	_ =	strace $0x9FFFFFFF  }
0xc2: {  	(tm) =	ssettm $0x7FFFFFFF  }
0xc3: {  	_ =	shalt  }
tec
execute0_lowered:
.L_overlay_start_1:
0x0: {  	(tag) =	ssettag $0x1  }
0x1: {  	s0 =	rddreg [dreg:$0x0]  }
0x2: {  	s9 =	rddreg [dreg:$0x1];
	s1 =	stileid.u32  }
0x3: {  	s2 =	simm.s32 $0x0;
	s3 =	srdreg.scid;
	s15 =	simm.s32 $0x1C00  }
0x4: {  	s16 =	simm.s32 $0x880;
	s17 =	simm.s32 $0x1080;
	s18 =	simm.s32 $0x1880  }
0x5: {  	s19 =	simm.s32 $0x2080;
	s20 =	simm.s32 $0x2880;
	s21 =	simm.s32 $0x3080  }
0x6: {  	s28 =	simm.s32 $0x6080;
	s29 =	simm.s32 $0x6880;
	s30 =	simm.s32 $0x7080  }
0x7: {  	s31 =	simm.s32 $0x7880;
	s4 =	sshll.u32 s1, $0x1;
	[smem:$0x7FF] =	sst s2  }
0x8: {  	s3 =	sand.u32 $0x1, s3;
	p0 =	slt.u32 s1, $0x8;
	s4 =	sand.u32 $0xE, s4  }
0x9: {  	_ =	strace $0x80000047;
	s5 =	ssub.s32 $0x2, s3;
	s15 =	simm.s32 @!p0 $0x1E00  }
0xa: {  	s4 =	sor.u32 s3, s4;
	s3 =	sadd.s32 $0x2000, s9;
	s6 =	sshrl.u32 s5, $0x1  }
0xb: {  	s26 =	sadd.s32 s15, s9;
	s15 =	simm.s32 $0x2;
	s7 =	sshll.u32 s4, $0xE  }
0xc: {  	s10 =	ssub.s32 s5, s6;
	s8 =	sshll.u32 s4, $0x7;
	s11 =	sshll.u32 s4, $0x4  }
0xd: {  	s4 =	sadd.s32 $0x2100, s9;
	s5 =	sadd.s32 $0x2200, s9;
	s6 =	sadd.s32 $0x2300, s9  }
0xe: {  	s22 =	sadd.s32 s0, s7;
	s23 =	sor.u32 $0x20, s8;
	s13 =	sor.u32 $0x40, s8  }
0xf: {  	s14 =	sor.u32 $0x60, s8;
	s9 =	smax.u32 s10, $0x1;
	s10 =	sadd.s32 s26, s11  }
0x10: {  	[dreg:$0x3] =	wrdreg s22;
	s12 =	sshll.u32 s23, $0x7;
	s24 =	sshrl.u32 s23, $0x3  }
0x11: {  	s25 =	sshll.u32 s13, $0x7;
	s8 =	sshll.u32 s14, $0x7;
	s13 =	sshrl.u32 s13, $0x3  }
0x12: {  	s14 =	sshrl.u32 s14, $0x3;
	s22 =	simm.s32 $0x3880;
	s23 =	simm.s32 $0x4080  }
0x13: {  	s12 =	sadd.s32 s0, s12;
	s7 =	sadd.s32 s0, s25;
	s8 =	sadd.s32 s0, s8  }
0x14: {  	v2 =	vlaneseq.u32;
	s11 =	sadd.s32 s26, s24;
	s24 =	simm.s32 $0x4880;
	s25 =	simm.s32 $0x5080  }
0x15: {  	vm0 =	vmmov $0xffff;
	v1 =	vshrl.u32 v2, $0x3;
	s0 =	simm.s32 $0x1;
	[dreg:$0x4] =	wrdreg s12;
	s12 =	sadd.s32 s26, s13  }
0x16: {  	v0 =	vand.u32 $0x7, v2;
	v2 =	vor.u32 $0x8, v2;
	v1 =	vmul.u32 $0x8, v1;
	s13 =	sadd.s32 s26, s14;
	s14 =	simm.s32 $0x80;
	s26 =	simm.s32 $0x5880  }
.LBB2_1:
0x17: {  	s1 =	rddreg [dreg:$0x3]  }
0x18: {  	[tilespmem:s14], [sflag:$0x2] =	stream.linear.gather [hbm4b:s1+s2], $0x8000, $0x38;
	[tilespmem:$0x8080] =	vst v63  }
0x19: {  	_ =	swait.ge [sflag:s15], $0x8000  }
0x1a: {  	[sflag:s15] =	ssyncset.done $0x0  }
0x1b: {  	[sflag:s15] =	ssyncadd.s32 $0xFFFF8000  }
0x1c: {  	[tilespmem:s2], [sflag:$0x2] =	stream.linear.gather [hbm4b:s10+s2], $0x20, $0x38;
	[tilespmem:$0x8080] =	vst v63  }
0x1d: {  	_ =	swait.ge [sflag:s15], $0x20  }
0x1e: {  	[sflag:s15] =	ssyncset.done $0x0  }
0x1f: {  	[sflag:s15] =	ssyncadd.s32 $0xFFFFFFE0  }
0x20: {  	v3 =	vld [tilespmem:$0x0];
	_ =	sdelay $0x4  }
0x21: {  	v4 =	vshll.u32 v3, $0x3  }
0x22: {  	v3 =	vand.u32 $0x7, v3;
	v4 =	vand.u32 $0xFFFFFFC0, v4  }
0x23: {  	v3 =	vor.u32 v3, v4  }
0x24: {  	v4 =	vperm.xlane v3, v0;
	_ =	sdelay $0x1  }
0x25: {  	v4 =	vadd.s32 v1, v4;
	_ =	sdelay $0x4  }
0x26: {  	[hbm4b:s3+s2] =	stream.indirect_vreg.scatter [tilespmem:s14], [sflag:$0x1], $0x80, v4, vm0, $0xb8;
	[tilespmem:$0x8080] =	vst v63  }
0x27: {  	v3 =	vperm.xlane v3, v2  }
0x28: {  	[hbm4b:s4+s2] =	stream.indirect_vreg.scatter [tilespmem:s16], [sflag:$0x1], $0x80, v4, vm0, $0xb8;
	[tilespmem:$0x8080] =	vst v63  }
0x29: {  	v3 =	vadd.s32 v1, v3  }
0x2a: {  	[hbm4b:s5+s2] =	stream.indirect_vreg.scatter [tilespmem:s17], [sflag:$0x1], $0x80, v4, vm0, $0xb8;
	[tilespmem:$0x8080] =	vst v63  }
0x2b: {  	_ = 	snop  }
0x2c: {  	[hbm4b:s6+s2] =	stream.indirect_vreg.scatter [tilespmem:s18], [sflag:$0x1], $0x80, v4, vm0, $0xb8;
	[tilespmem:$0x8080] =	vst v63  }
0x2d: {  	_ = 	snop  }
0x2e: {  	[hbm4b:s3+s2] =	stream.indirect_vreg.scatter [tilespmem:s19], [sflag:$0x1], $0x80, v3, vm0, $0xb8;
	[tilespmem:$0x8080] =	vst v63  }
0x2f: {  	_ = 	snop  }
0x30: {  	[hbm4b:s4+s2] =	stream.indirect_vreg.scatter [tilespmem:s20], [sflag:$0x1], $0x80, v3, vm0, $0xb8;
	[tilespmem:$0x8080] =	vst v63  }
0x31: {  	_ = 	snop  }
0x32: {  	[hbm4b:s5+s2] =	stream.indirect_vreg.scatter [tilespmem:s21], [sflag:$0x1], $0x80, v3, vm0, $0xb8;
	[tilespmem:$0x8080] =	vst v63  }
0x33: {  	_ = 	snop  }
0x34: {  	[hbm4b:s6+s2] =	stream.indirect_vreg.scatter [tilespmem:s22], [sflag:$0x1], $0x80, v3, vm0, $0xb8;
	[tilespmem:$0x8080] =	vst v63  }
0x35: {  	v3 =	vld [tilespmem:$0x10];
	_ =	sdelay $0x4  }
0x36: {  	v57 =	vshll.u32 v3, $0x3  }
0x37: {  	v3 =	vand.u32 $0x7, v3;
	v4 =	vand.u32 $0xFFFFFFC0, v57  }
0x38: {  	v3 =	vor.u32 v3, v4  }
0x39: {  	v4 =	vperm.xlane v3, v0;
	_ =	sdelay $0x1  }
0x3a: {  	v4 =	vadd.s32 v1, v4;
	_ =	sdelay $0x4  }
0x3b: {  	[hbm4b:s3+s2] =	stream.indirect_vreg.scatter [tilespmem:s23], [sflag:$0x1], $0x80, v4, vm0, $0xb8;
	[tilespmem:$0x8080] =	vst v63  }
0x3c: {  	v3 =	vperm.xlane v3, v2  }
0x3d: {  	[hbm4b:s4+s2] =	stream.indirect_vreg.scatter [tilespmem:s24], [sflag:$0x1], $0x80, v4, vm0, $0xb8;
	[tilespmem:$0x8080] =	vst v63  }
0x3e: {  	v3 =	vadd.s32 v1, v3  }
0x3f: {  	[hbm4b:s5+s2] =	stream.indirect_vreg.scatter [tilespmem:s25], [sflag:$0x1], $0x80, v4, vm0, $0xb8;
	[tilespmem:$0x8080] =	vst v63  }
0x40: {  	_ = 	snop  }
0x41: {  	[hbm4b:s6+s2] =	stream.indirect_vreg.scatter [tilespmem:s26], [sflag:$0x1], $0x80, v4, vm0, $0xb8;
	[tilespmem:$0x8080] =	vst v63  }
0x42: {  	_ = 	snop  }
0x43: {  	[hbm4b:s3+s2] =	stream.indirect_vreg.scatter [tilespmem:s28], [sflag:$0x1], $0x80, v3, vm0, $0xb8;
	[tilespmem:$0x8080] =	vst v63  }
0x44: {  	_ = 	snop  }
0x45: {  	[hbm4b:s4+s2] =	stream.indirect_vreg.scatter [tilespmem:s29], [sflag:$0x1], $0x80, v3, vm0, $0xb8;
	[tilespmem:$0x8080] =	vst v63  }
0x46: {  	_ = 	snop  }
0x47: {  	[hbm4b:s5+s2] =	stream.indirect_vreg.scatter [tilespmem:s30], [sflag:$0x1], $0x80, v3, vm0, $0xb8;
	[tilespmem:$0x8080] =	vst v63  }
0x48: {  	_ = 	snop  }
0x49: {  	[hbm4b:s6+s2] =	stream.indirect_vreg.scatter [tilespmem:s31], [sflag:$0x1], $0x80, v3, vm0, $0xb8;
	[tilespmem:$0x8080] =	vst v63  }
0x4a: {  	_ =	swait.ge [sflag:s0], $0x8000  }
0x4b: {  	[sflag:s0] =	ssyncset.done $0x0  }
0x4c: {  	s1 =	rddreg [dreg:$0x4];
	[sflag:s0] =	ssyncadd.s32 $0xFFFF8000  }
0x4d: {  	[tilespmem:s14], [sflag:$0x2] =	stream.linear.gather [hbm4b:s1+s2], $0x8000, $0x38;
	[tilespmem:$0x8080] =	vst v63  }
0x4e: {  	_ =	swait.ge [sflag:s15], $0x8000  }
0x4f: {  	[sflag:s15] =	ssyncset.done $0x0  }
0x50: {  	[sflag:s15] =	ssyncadd.s32 $0xFFFF8000  }
0x51: {  	[tilespmem:s2], [sflag:$0x2] =	stream.linear.gather [hbm4b:s11+s2], $0x20, $0x38;
	[tilespmem:$0x8080] =	vst v63  }
0x52: {  	_ =	swait.ge [sflag:s15], $0x20  }
0x53: {  	[sflag:s15] =	ssyncset.done $0x0  }
0x54: {  	[sflag:s15] =	ssyncadd.s32 $0xFFFFFFE0  }
0x55: {  	v3 =	vld [tilespmem:$0x0];
	_ =	sdelay $0x4  }
0x56: {  	v58 =	vshll.u32 v3, $0x3  }
0x57: {  	v3 =	vand.u32 $0x7, v3;
	v4 =	vand.u32 $0xFFFFFFC0, v58  }
0x58: {  	v3 =	vor.u32 v3, v4  }
0x59: {  	v4 =	vperm.xlane v3, v0;
	_ =	sdelay $0x1  }
0x5a: {  	v4 =	vadd.s32 v1, v4;
	_ =	sdelay $0x4  }
0x5b: {  	[hbm4b:s3+s2] =	stream.indirect_vreg.scatter [tilespmem:s14], [sflag:$0x1], $0x80, v4, vm0, $0xb8;
	[tilespmem:$0x8080] =	vst v63  }
0x5c: {  	v3 =	vperm.xlane v3, v2  }
0x5d: {  	[hbm4b:s4+s2] =	stream.indirect_vreg.scatter [tilespmem:s16], [sflag:$0x1], $0x80, v4, vm0, $0xb8;
	[tilespmem:$0x8080] =	vst v63  }
0x5e: {  	v3 =	vadd.s32 v1, v3  }
0x5f: {  	[hbm4b:s5+s2] =	stream.indirect_vreg.scatter [tilespmem:s17], [sflag:$0x1], $0x80, v4, vm0, $0xb8;
	[tilespmem:$0x8080] =	vst v63  }
0x60: {  	_ = 	snop  }
0x61: {  	[hbm4b:s6+s2] =	stream.indirect_vreg.scatter [tilespmem:s18], [sflag:$0x1], $0x80, v4, vm0, $0xb8;
	[tilespmem:$0x8080] =	vst v63  }
0x62: {  	_ = 	snop  }
0x63: {  	[hbm4b:s3+s2] =	stream.indirect_vreg.scatter [tilespmem:s19], [sflag:$0x1], $0x80, v3, vm0, $0xb8;
	[tilespmem:$0x8080] =	vst v63  }
0x64: {  	_ = 	snop  }
0x65: {  	[hbm4b:s4+s2] =	stream.indirect_vreg.scatter [tilespmem:s20], [sflag:$0x1], $0x80, v3, vm0, $0xb8;
	[tilespmem:$0x8080] =	vst v63  }
0x66: {  	_ = 	snop  }
0x67: {  	[hbm4b:s5+s2] =	stream.indirect_vreg.scatter [tilespmem:s21], [sflag:$0x1], $0x80, v3, vm0, $0xb8;
	[tilespmem:$0x8080] =	vst v63  }
0x68: {  	_ = 	snop  }
0x69: {  	[hbm4b:s6+s2] =	stream.indirect_vreg.scatter [tilespmem:s22], [sflag:$0x1], $0x80, v3, vm0, $0xb8;
	[tilespmem:$0x8080] =	vst v63  }
0x6a: {  	v3 =	vld [tilespmem:$0x10];
	_ =	sdelay $0x4  }
0x6b: {  	v59 =	vshll.u32 v3, $0x3  }
0x6c: {  	v3 =	vand.u32 $0x7, v3;
	v4 =	vand.u32 $0xFFFFFFC0, v59  }
0x6d: {  	v3 =	vor.u32 v3, v4  }
0x6e: {  	v4 =	vperm.xlane v3, v0;
	_ =	sdelay $0x1  }
0x6f: {  	v4 =	vadd.s32 v1, v4;
	_ =	sdelay $0x4  }
0x70: {  	[hbm4b:s3+s2] =	stream.indirect_vreg.scatter [tilespmem:s23], [sflag:$0x1], $0x80, v4, vm0, $0xb8;
	[tilespmem:$0x8080] =	vst v63  }
0x71: {  	v3 =	vperm.xlane v3, v2  }
0x72: {  	[hbm4b:s4+s2] =	stream.indirect_vreg.scatter [tilespmem:s24], [sflag:$0x1], $0x80, v4, vm0, $0xb8;
	[tilespmem:$0x8080] =	vst v63  }
0x73: {  	v3 =	vadd.s32 v1, v3  }
0x74: {  	[hbm4b:s5+s2] =	stream.indirect_vreg.scatter [tilespmem:s25], [sflag:$0x1], $0x80, v4, vm0, $0xb8;
	[tilespmem:$0x8080] =	vst v63  }
0x75: {  	_ = 	snop  }
0x76: {  	[hbm4b:s6+s2] =	stream.indirect_vreg.scatter [tilespmem:s26], [sflag:$0x1], $0x80, v4, vm0, $0xb8;
	[tilespmem:$0x8080] =	vst v63  }
0x77: {  	_ = 	snop  }
0x78: {  	[hbm4b:s3+s2] =	stream.indirect_vreg.scatter [tilespmem:s28], [sflag:$0x1], $0x80, v3, vm0, $0xb8;
	[tilespmem:$0x8080] =	vst v63  }
0x79: {  	_ = 	snop  }
0x7a: {  	[hbm4b:s4+s2] =	stream.indirect_vreg.scatter [tilespmem:s29], [sflag:$0x1], $0x80, v3, vm0, $0xb8;
	[tilespmem:$0x8080] =	vst v63  }
0x7b: {  	_ = 	snop  }
0x7c: {  	[hbm4b:s5+s2] =	stream.indirect_vreg.scatter [tilespmem:s30], [sflag:$0x1], $0x80, v3, vm0, $0xb8;
	[tilespmem:$0x8080] =	vst v63  }
0x7d: {  	_ = 	snop  }
0x7e: {  	[hbm4b:s6+s2] =	stream.indirect_vreg.scatter [tilespmem:s31], [sflag:$0x1], $0x80, v3, vm0, $0xb8;
	[tilespmem:$0x8080] =	vst v63  }
0x7f: {  	_ =	swait.ge [sflag:s0], $0x8000  }
0x80: {  	[sflag:s0] =	ssyncset.done $0x0  }
0x81: {  	[sflag:s0] =	ssyncadd.s32 $0xFFFF8000  }
0x82: {  	[tilespmem:s14], [sflag:$0x2] =	stream.linear.gather [hbm4b:s7+s2], $0x8000, $0x38;
	[tilespmem:$0x8080] =	vst v63  }
0x83: {  	_ =	swait.ge [sflag:s15], $0x8000  }
0x84: {  	[sflag:s15] =	ssyncset.done $0x0  }
0x85: {  	[sflag:s15] =	ssyncadd.s32 $0xFFFF8000  }
0x86: {  	[tilespmem:s2], [sflag:$0x2] =	stream.linear.gather [hbm4b:s12+s2], $0x20, $0x38;
	[tilespmem:$0x8080] =	vst v63  }
0x87: {  	_ =	swait.ge [sflag:s15], $0x20  }
0x88: {  	[sflag:s15] =	ssyncset.done $0x0  }
0x89: {  	[sflag:s15] =	ssyncadd.s32 $0xFFFFFFE0  }
0x8a: {  	v3 =	vld [tilespmem:$0x0];
	_ =	sdelay $0x4  }
0x8b: {  	v60 =	vshll.u32 v3, $0x3  }
0x8c: {  	v3 =	vand.u32 $0x7, v3;
	v4 =	vand.u32 $0xFFFFFFC0, v60  }
0x8d: {  	v3 =	vor.u32 v3, v4  }
0x8e: {  	v4 =	vperm.xlane v3, v0;
	_ =	sdelay $0x1  }
0x8f: {  	v4 =	vadd.s32 v1, v4;
	_ =	sdelay $0x4  }
0x90: {  	[hbm4b:s3+s2] =	stream.indirect_vreg.scatter [tilespmem:s14], [sflag:$0x1], $0x80, v4, vm0, $0xb8;
	[tilespmem:$0x8080] =	vst v63  }
0x91: {  	v3 =	vperm.xlane v3, v2  }
0x92: {  	[hbm4b:s4+s2] =	stream.indirect_vreg.scatter [tilespmem:s16], [sflag:$0x1], $0x80, v4, vm0, $0xb8;
	[tilespmem:$0x8080] =	vst v63  }
0x93: {  	v3 =	vadd.s32 v1, v3  }
0x94: {  	[hbm4b:s5+s2] =	stream.indirect_vreg.scatter [tilespmem:s17], [sflag:$0x1], $0x80, v4, vm0, $0xb8;
	[tilespmem:$0x8080] =	vst v63  }
0x95: {  	_ = 	snop  }
0x96: {  	[hbm4b:s6+s2] =	stream.indirect_vreg.scatter [tilespmem:s18], [sflag:$0x1], $0x80, v4, vm0, $0xb8;
	[tilespmem:$0x8080] =	vst v63  }
0x97: {  	_ = 	snop  }
0x98: {  	[hbm4b:s3+s2] =	stream.indirect_vreg.scatter [tilespmem:s19], [sflag:$0x1], $0x80, v3, vm0, $0xb8;
	[tilespmem:$0x8080] =	vst v63  }
0x99: {  	_ = 	snop  }
0x9a: {  	[hbm4b:s4+s2] =	stream.indirect_vreg.scatter [tilespmem:s20], [sflag:$0x1], $0x80, v3, vm0, $0xb8;
	[tilespmem:$0x8080] =	vst v63  }
0x9b: {  	_ = 	snop  }
0x9c: {  	[hbm4b:s5+s2] =	stream.indirect_vreg.scatter [tilespmem:s21], [sflag:$0x1], $0x80, v3, vm0, $0xb8;
	[tilespmem:$0x8080] =	vst v63  }
0x9d: {  	_ = 	snop  }
0x9e: {  	[hbm4b:s6+s2] =	stream.indirect_vreg.scatter [tilespmem:s22], [sflag:$0x1], $0x80, v3, vm0, $0xb8;
	[tilespmem:$0x8080] =	vst v63  }
0x9f: {  	v3 =	vld [tilespmem:$0x10];
	_ =	sdelay $0x4  }
0xa0: {  	v61 =	vshll.u32 v3, $0x3  }
0xa1: {  	v3 =	vand.u32 $0x7, v3;
	v4 =	vand.u32 $0xFFFFFFC0, v61  }
0xa2: {  	v3 =	vor.u32 v3, v4  }
0xa3: {  	v4 =	vperm.xlane v3, v0;
	_ =	sdelay $0x1  }
0xa4: {  	v4 =	vadd.s32 v1, v4;
	_ =	sdelay $0x4  }
0xa5: {  	[hbm4b:s3+s2] =	stream.indirect_vreg.scatter [tilespmem:s23], [sflag:$0x1], $0x80, v4, vm0, $0xb8;
	[tilespmem:$0x8080] =	vst v63  }
0xa6: {  	v3 =	vperm.xlane v3, v2  }
0xa7: {  	[hbm4b:s4+s2] =	stream.indirect_vreg.scatter [tilespmem:s24], [sflag:$0x1], $0x80, v4, vm0, $0xb8;
	[tilespmem:$0x8080] =	vst v63  }
0xa8: {  	v3 =	vadd.s32 v1, v3  }
0xa9: {  	[hbm4b:s5+s2] =	stream.indirect_vreg.scatter [tilespmem:s25], [sflag:$0x1], $0x80, v4, vm0, $0xb8;
	[tilespmem:$0x8080] =	vst v63  }
0xaa: {  	_ = 	snop  }
0xab: {  	[hbm4b:s6+s2] =	stream.indirect_vreg.scatter [tilespmem:s26], [sflag:$0x1], $0x80, v4, vm0, $0xb8;
	[tilespmem:$0x8080] =	vst v63  }
0xac: {  	_ = 	snop  }
0xad: {  	[hbm4b:s3+s2] =	stream.indirect_vreg.scatter [tilespmem:s28], [sflag:$0x1], $0x80, v3, vm0, $0xb8;
	[tilespmem:$0x8080] =	vst v63  }
0xae: {  	_ = 	snop  }
0xaf: {  	[hbm4b:s4+s2] =	stream.indirect_vreg.scatter [tilespmem:s29], [sflag:$0x1], $0x80, v3, vm0, $0xb8;
	[tilespmem:$0x8080] =	vst v63  }
0xb0: {  	_ = 	snop  }
0xb1: {  	[hbm4b:s5+s2] =	stream.indirect_vreg.scatter [tilespmem:s30], [sflag:$0x1], $0x80, v3, vm0, $0xb8;
	[tilespmem:$0x8080] =	vst v63  }
0xb2: {  	_ = 	snop  }
0xb3: {  	[hbm4b:s6+s2] =	stream.indirect_vreg.scatter [tilespmem:s31], [sflag:$0x1], $0x80, v3, vm0, $0xb8;
	[tilespmem:$0x8080] =	vst v63  }
0xb4: {  	_ =	swait.ge [sflag:s0], $0x8000  }
0xb5: {  	[sflag:s0] =	ssyncset.done $0x0  }
0xb6: {  	[sflag:s0] =	ssyncadd.s32 $0xFFFF8000  }
0xb7: {  	[tilespmem:s14], [sflag:$0x2] =	stream.linear.gather [hbm4b:s8+s2], $0x8000, $0x38;
	[tilespmem:$0x8080] =	vst v63  }
0xb8: {  	_ =	swait.ge [sflag:s15], $0x8000  }
0xb9: {  	[sflag:s15] =	ssyncset.done $0x0  }
0xba: {  	[sflag:s15] =	ssyncadd.s32 $0xFFFF8000  }
0xbb: {  	[tilespmem:s2], [sflag:$0x2] =	stream.linear.gather [hbm4b:s13+s2], $0x20, $0x38;
	[tilespmem:$0x8080] =	vst v63  }
0xbc: {  	_ =	swait.ge [sflag:s15], $0x20  }
0xbd: {  	[sflag:s15] =	ssyncset.done $0x0  }
0xbe: {  	[sflag:s15] =	ssyncadd.s32 $0xFFFFFFE0  }
0xbf: {  	v3 =	vld [tilespmem:$0x0];
	_ =	sdelay $0x4  }
0xc0: {  	v62 =	vshll.u32 v3, $0x3  }
0xc1: {  	v3 =	vand.u32 $0x7, v3;
	v4 =	vand.u32 $0xFFFFFFC0, v62  }
0xc2: {  	v3 =	vor.u32 v3, v4  }
0xc3: {  	v4 =	vperm.xlane v3, v0;
	_ =	sdelay $0x1  }
0xc4: {  	v4 =	vadd.s32 v1, v4;
	_ =	sdelay $0x4  }
0xc5: {  	[hbm4b:s3+s2] =	stream.indirect_vreg.scatter [tilespmem:s14], [sflag:$0x1], $0x80, v4, vm0, $0xb8;
	[tilespmem:$0x8080] =	vst v63  }
0xc6: {  	v3 =	vperm.xlane v3, v2  }
0xc7: {  	[hbm4b:s4+s2] =	stream.indirect_vreg.scatter [tilespmem:s16], [sflag:$0x1], $0x80, v4, vm0, $0xb8;
	[tilespmem:$0x8080] =	vst v63  }
0xc8: {  	v3 =	vadd.s32 v1, v3  }
0xc9: {  	[hbm4b:s5+s2] =	stream.indirect_vreg.scatter [tilespmem:s17], [sflag:$0x1], $0x80, v4, vm0, $0xb8;
	[tilespmem:$0x8080] =	vst v63  }
0xca: {  	_ = 	snop  }
0xcb: {  	[hbm4b:s6+s2] =	stream.indirect_vreg.scatter [tilespmem:s18], [sflag:$0x1], $0x80, v4, vm0, $0xb8;
	[tilespmem:$0x8080] =	vst v63  }
0xcc: {  	_ = 	snop  }
0xcd: {  	[hbm4b:s3+s2] =	stream.indirect_vreg.scatter [tilespmem:s19], [sflag:$0x1], $0x80, v3, vm0, $0xb8;
	[tilespmem:$0x8080] =	vst v63  }
0xce: {  	_ = 	snop  }
0xcf: {  	[hbm4b:s4+s2] =	stream.indirect_vreg.scatter [tilespmem:s20], [sflag:$0x1], $0x80, v3, vm0, $0xb8;
	[tilespmem:$0x8080] =	vst v63  }
0xd0: {  	_ = 	snop  }
0xd1: {  	[hbm4b:s5+s2] =	stream.indirect_vreg.scatter [tilespmem:s21], [sflag:$0x1], $0x80, v3, vm0, $0xb8;
	[tilespmem:$0x8080] =	vst v63  }
0xd2: {  	_ = 	snop  }
0xd3: {  	[hbm4b:s6+s2] =	stream.indirect_vreg.scatter [tilespmem:s22], [sflag:$0x1], $0x80, v3, vm0, $0xb8;
	[tilespmem:$0x8080] =	vst v63  }
0xd4: {  	v3 =	vld [tilespmem:$0x10];
	_ =	sdelay $0x4  }
0xd5: {  	v63 =	vshll.u32 v3, $0x3  }
0xd6: {  	v3 =	vand.u32 $0x7, v3;
	v4 =	vand.u32 $0xFFFFFFC0, v63  }
0xd7: {  	v3 =	vor.u32 v3, v4  }
0xd8: {  	v4 =	vperm.xlane v3, v0;
	_ =	sdelay $0x1  }
0xd9: {  	v4 =	vadd.s32 v1, v4;
	_ =	sdelay $0x4  }
0xda: {  	[hbm4b:s3+s2] =	stream.indirect_vreg.scatter [tilespmem:s23], [sflag:$0x1], $0x80, v4, vm0, $0xb8;
	[tilespmem:$0x8080] =	vst v63  }
0xdb: {  	v3 =	vperm.xlane v3, v2  }
0xdc: {  	[hbm4b:s4+s2] =	stream.indirect_vreg.scatter [tilespmem:s24], [sflag:$0x1], $0x80, v4, vm0, $0xb8;
	[tilespmem:$0x8080] =	vst v63  }
0xdd: {  	v3 =	vadd.s32 v1, v3  }
0xde: {  	[hbm4b:s5+s2] =	stream.indirect_vreg.scatter [tilespmem:s25], [sflag:$0x1], $0x80, v4, vm0, $0xb8;
	[tilespmem:$0x8080] =	vst v63  }
0xdf: {  	_ = 	snop  }
0xe0: {  	[hbm4b:s6+s2] =	stream.indirect_vreg.scatter [tilespmem:s26], [sflag:$0x1], $0x80, v4, vm0, $0xb8;
	[tilespmem:$0x8080] =	vst v63  }
0xe1: {  	_ = 	snop  }
0xe2: {  	[hbm4b:s3+s2] =	stream.indirect_vreg.scatter [tilespmem:s28], [sflag:$0x1], $0x80, v3, vm0, $0xb8;
	[tilespmem:$0x8080] =	vst v63  }
0xe3: {  	_ = 	snop  }
0xe4: {  	[hbm4b:s4+s2] =	stream.indirect_vreg.scatter [tilespmem:s29], [sflag:$0x1], $0x80, v3, vm0, $0xb8;
	[tilespmem:$0x8080] =	vst v63  }
0xe5: {  	p0 =	sne.s32 s9, $0x1  }
0xe6: {  	[hbm4b:s5+s2] =	stream.indirect_vreg.scatter [tilespmem:s30], [sflag:$0x1], $0x80, v3, vm0, $0xb8;
	[tilespmem:$0x8080] =	vst v63  }
.Ltmp0:
0xe7: {  	_ = 	snop;
	(pc) =	sbr.rel @p0 .LBB2_1-.Ltmp0, $4  }
0xe8: {  	[hbm4b:s6+s2] =	stream.indirect_vreg.scatter [tilespmem:s31], [sflag:$0x1], $0x80, v3, vm0, $0xb8;
	[tilespmem:$0x8080] =	vst v63  }
0xe9: {  	_ =	swait.ge [sflag:s0], $0x8000  }
0xea: {  	[sflag:s0] =	ssyncset.done $0x0  }
0xeb: {  	s9 =	sadd.s32 $0xFFFFFFFF, s9;
	[sflag:s0] =	ssyncadd.s32 $0xFFFF8000  }
0xec: {  	_ =	sfence.sel $0x180000  }
0xed: {  	[bflag:$0x0] =	sbarrier.arrive $0xFFFF  }
0xee: {  	_ =	strace $0x90000047  }
0xef: {  	s0 =	stileid.u32;
	[bflag:$0x2] =	sbarrier.arrive $0xFFFF  }
0xf0: {  	p0 =	sne.s32 s0, $0x0;
	s0 =	rddreg [dreg:$0x2]  }
0xf1: {  	s0 =	sadd.s32 @!p0 $0x100000, s0  }
0xf2: {  	[sflag:s0] =	ssyncadd.tile.s32 @!p0 $0x1;
	_ =	shalt  }
.Lfunc_end2:
_tile_overlayer_lowered:
.L_overlay_start_2:
0xf3: {  	(tag) =	ssettag $0x2  }
0xf4: {  	s0 =	rddreg [dreg:$0x0];
	s2 =	stileid.u32  }
0xf5: {  	s1 =	rddreg [dreg:$0x1];
	p0 =	sne.s32 s2, $0x0  }
0xf6: {  	s3 =	rddreg [dreg:$0x2];
	[bflag:$0x3] =	sbarrier.arrive $0xFFFF;
	s2 =	simm.s32 @!p0 $0x1C02  }
0xf7: {  	[timem:s3], [sflag:s2] =	dma.local @!p0 [hbm:s0], s1  }
0xf8: {  	s0 =	simm.s32 @!p0 $0x2  }
0xf9: {  	_ =	swait.ge @!p0 [sflag:s0], s1  }
0xfa: {  	s1 =	ssub.s32 @!p0 $0x0, s1;
	[sflag:s0] =	ssyncset.done @!p0 $0x0  }
0xfb: {  	[sflag:s0] =	ssyncadd.s32 @!p0 s1  }
0xfc: {  	[bflag:$0x3] =	sbarrier.arrive $0xFFFF  }
0xfd: {  	_ =	shalt  }

</sc_bundles>
